<compile_context>
chip_gen: v7x
topology: tpu7x:2x2x1
jax: 0.10.2.dev20260603
libtpu: 0.0.44.dev20260713+nightly
codegen_flags: <defaults>
</compile_context>

<pallas_src>
import dataclasses
import functools

import jax
import jax.numpy as jnp
from jax import lax
from jax.experimental import pallas as pl
from jax.experimental.pallas import tpu as pltpu
from jax.experimental.pallas import tpu_sc as plsc

_L = 16
_CH = 128
_D = 128



def _norm_rows(x):
    ss = jnp.sum(x * x, axis=1, keepdims=True)
    n = jnp.sqrt(ss)
    return (x / jnp.maximum(n, 1e-12)).astype(jnp.bfloat16)


def _dense_body(n_valid, drug_rows, gene_ref, drug_ref, p_ref, t_ref,
                gout_ref, dout_ref, bce_ref):
    gout_ref[...] = _norm_rows(gene_ref[...])
    nd = drug_ref.shape[0]
    dout_ref[:nd, :] = _norm_rows(drug_ref[...])
    dout_ref[nd:, :] = jnp.zeros((drug_rows - nd, drug_ref.shape[1]),
                                 jnp.bfloat16)
    p = p_ref[...]
    t = t_ref[...]
    term = jnp.maximum(p, 0.0) - p * t + jnp.log1p(jnp.exp(-jnp.abs(p)))
    rows, cols = p.shape
    idx = (lax.broadcasted_iota(jnp.int32, (rows, cols), 0) * cols
           + lax.broadcasted_iota(jnp.int32, (rows, cols), 1))
    term = jnp.where(idx < n_valid, term, 0.0)
    bce_ref[...] = jnp.sum(term, axis=0, keepdims=True)


def _dense_stage(gene_x, drug_x, p2d, t2d, n_valid, drug_rows):
    d = gene_x.shape[1]
    return pl.pallas_call(
        functools.partial(_dense_body, n_valid, drug_rows),
        out_shape=(
            jax.ShapeDtypeStruct(gene_x.shape, jnp.bfloat16),
            jax.ShapeDtypeStruct((drug_rows, d), jnp.bfloat16),
            jax.ShapeDtypeStruct((1, p2d.shape[1]), jnp.float32),
        ),
    )(gene_x, drug_x, p2d, t2d)



def _make_edge_kernel(nw, ppi_chunks, dti_chunks):
    ppw = ppi_chunks * _CH
    dtw = dti_chunks * _CH
    mesh = plsc.VectorSubcoreMesh(core_axis_name="c", subcore_axis_name="s")
    info = plsc.get_sparse_core_info()
    nc = info.num_cores

    cp = pltpu.CompilerParams()
    if "needs_layout_passes" in pltpu.CompilerParams.__dataclass_fields__:
        cp = dataclasses.replace(cp, needs_layout_passes=False)
    if "use_tc_tiling_on_sc" in pltpu.CompilerParams.__dataclass_fields__:
        cp = dataclasses.replace(cp, use_tc_tiling_on_sc=False)

    @functools.partial(
        pl.kernel,
        mesh=mesh,
        compiler_params=cp,
        out_type=jax.ShapeDtypeStruct((nw, 2, _L), jnp.float32),
        scratch_types=[
            pltpu.VMEM((ppw,), jnp.int32),
            pltpu.VMEM((ppw,), jnp.int32),
            pltpu.VMEM((dtw,), jnp.int32),
            pltpu.VMEM((dtw,), jnp.int32),
            pltpu.VMEM((_CH, _D // 2), jnp.float32),
            pltpu.VMEM((_CH, _D // 2), jnp.float32),
            pltpu.VMEM((_CH, _D // 2), jnp.float32),
            pltpu.VMEM((_CH, _D // 2), jnp.float32),
            pltpu.VMEM((2, _L), jnp.float32),
            pltpu.SemaphoreType.DMA,
            pltpu.SemaphoreType.DMA,
            pltpu.SemaphoreType.DMA,
            pltpu.SemaphoreType.DMA,
        ],
    )
    def edge_kernel(gene_hbm, drug_hbm, ps_hbm, pd_hbm, ds_hbm, dd_hbm,
                    out_hbm, psidx, pdidx, dsidx, ddidx,
                    srows_a, drows_a, srows_b, drows_b, ovec,
                    ss0, ss1, sd0, sd1):
        wid = lax.axis_index("s") * nc + lax.axis_index("c")

        pltpu.sync_copy(ps_hbm.at[pl.ds(wid * ppw, ppw)], psidx)
        pltpu.sync_copy(pd_hbm.at[pl.ds(wid * ppw, ppw)], pdidx)
        pltpu.sync_copy(ds_hbm.at[pl.ds(wid * dtw, dtw)], dsidx)
        pltpu.sync_copy(dd_hbm.at[pl.ds(wid * dtw, dtw)], ddidx)

        def compute(sb, db, acc):
            def one(e):
                prod = None
                for k in range(_D // 2 // _L):
                    s = plsc.bitcast(sb[e, pl.ds(k * _L, _L)], jnp.bfloat16)
                    t = plsc.bitcast(db[e, pl.ds(k * _L, _L)], jnp.bfloat16)
                    st = s * t
                    prod = st if prod is None else prod + st
                lo, hi = plsc.unpack(prod, format=plsc.PackFormat.INTERLEAVED)
                dt = jnp.sum(lo + hi)
                r = dt - 1.0
                return r * r

            def edge(e, acc):
                return acc + one(4 * e) + one(4 * e + 1) + one(4 * e + 2) + one(4 * e + 3)

            return lax.fori_loop(0, _CH // 4, edge, acc)

        def run_class(tbl_s, tbl_d, sidx, didx, nch, acc):
            bufs = ((srows_a, drows_a, ss0, sd0),
                    (srows_b, drows_b, ss1, sd1))

            def start(t, b):
                sr, dr, sss, ssd = bufs[b]
                pltpu.async_copy(tbl_s.at[sidx.at[pl.ds(t * _CH, _CH)]],
                                 sr, sss)
                pltpu.async_copy(tbl_d.at[didx.at[pl.ds(t * _CH, _CH)]],
                                 dr, ssd)

            def wait(b):
                sr, dr, sss, ssd = bufs[b]
                pltpu.make_async_copy(tbl_s.at[sidx.at[pl.ds(0, _CH)]],
                                      sr, sss).wait()
                pltpu.make_async_copy(tbl_d.at[didx.at[pl.ds(0, _CH)]],
                                      dr, ssd).wait()

            start(0, 0)
            start(1, 1)

            def pair(i, acc):
                for b in (0, 1):
                    t = 2 * i + b
                    wait(b)

                    @pl.when(t + 2 < nch)
                    def _():
                        start(t + 2, b)

                    sr, dr = bufs[b][0], bufs[b][1]
                    acc = compute(sr, dr, acc)
                return acc

            return lax.fori_loop(0, nch // 2, pair, acc)

        acc_ppi = run_class(gene_hbm, gene_hbm, psidx, pdidx, ppi_chunks,
                            jnp.zeros((), jnp.float32))
        acc_dti = run_class(drug_hbm, gene_hbm, dsidx, ddidx, dti_chunks,
                            jnp.zeros((), jnp.float32))

        lane = lax.iota(jnp.int32, _L)
        ovec[0, :] = jnp.where(lane == 0, acc_ppi, 0.0)
        ovec[1, :] = jnp.where(lane == 0, acc_dti, 0.0)
        pltpu.sync_copy(ovec, out_hbm.at[wid])

    return edge_kernel


def _pad_idx(idx, total, fill_base, fill_mod):
    pad = total - idx.shape[0]
    if pad == 0:
        return idx.astype(jnp.int32)
    fill = fill_base + (jnp.arange(pad, dtype=jnp.int32) % fill_mod)
    return jnp.concatenate([idx.astype(jnp.int32), fill])



def kernel(gene_x, drug_x, predicted_dti, known_dti, ppi_edge_index,
           dti_src, dti_dst):
    dti_weight = 1.0
    topology_weight = 0.1

    n_gene, d = gene_x.shape
    n_drug = drug_x.shape[0]
    e_ppi = ppi_edge_index.shape[1]
    e_dti = predicted_dti.shape[0]

    info = plsc.get_sparse_core_info()
    nw = info.num_cores * info.num_subcores

    drug_rows = ((n_drug + _CH - 1) // _CH) * _CH + _CH
    cols = 128
    n_flat = ((e_dti + cols * 8 - 1) // (cols * 8)) * (cols * 8)
    p2d = jnp.pad(predicted_dti, (0, n_flat - e_dti)).reshape(-1, cols)
    t2d = jnp.pad(known_dti, (0, n_flat - e_dti)).reshape(-1, cols)
    gene_nb, drug_nb, bce_part = _dense_stage(gene_x, drug_x, p2d, t2d,
                                              e_dti, drug_rows)
    bce_total = jnp.sum(bce_part)

    def _pack(nrm):
        return lax.bitcast_convert_type(
            nrm.reshape(nrm.shape[0], d // 2, 2), jnp.float32)

    gene_n = _pack(gene_nb)
    drug_n = _pack(drug_nb)

    per_block = nw * _CH

    def _even_chunks(n):
        c = (n + per_block - 1) // per_block
        return c + (c % 2)

    ppi_chunks = _even_chunks(e_ppi)
    dti_chunks = _even_chunks(e_dti)
    ppi_total = ppi_chunks * per_block
    dti_total = dti_chunks * per_block
    dti_pad = dti_total - e_dti

    ps = _pad_idx(ppi_edge_index[0], ppi_total, 0, n_gene)
    pd = _pad_idx(ppi_edge_index[1], ppi_total, 0, n_gene)
    ds = _pad_idx(dti_src, dti_total, n_drug, _D)
    dd = _pad_idx(dti_dst, dti_total, 0, n_gene)

    edge_kernel = _make_edge_kernel(nw, ppi_chunks, dti_chunks)
    parts = edge_kernel(gene_n, drug_n, ps, pd, ds, dd)

    ppi_sum = jnp.sum(parts[:, 0, :])
    dti_sum = jnp.sum(parts[:, 1, :]) - jnp.float32(dti_pad)

    topology_loss = ppi_sum / e_ppi + dti_sum / e_dti
    dti_loss = bce_total / e_dti
    return dti_weight * dti_loss + topology_weight * topology_loss

# --- scband reference (transcript-rebuilt; emitter-appended) ---
"""Pipeline reference for scband-drug-specific-loss-60120952209793 (READ-ONLY COPY).

The authoritative reference and input builder live on the scoring server;
editing this copy changes nothing except your own understanding.
"""

import jax, jax.numpy as jnp
import numpy as np


def _l2_normalize(x, eps=1e-12):
    # matches torch.nn.functional.normalize(p=2, dim=1)
    norm = jnp.linalg.norm(x, ord=2, axis=1, keepdims=True)
    return x / jnp.maximum(norm, eps)


def _bce_with_logits(logits, targets):
    # matches torch.nn.BCEWithLogitsLoss (mean reduction), numerically stable
    return jnp.mean(jnp.maximum(logits, 0.0) - logits * targets + jnp.log1p(jnp.exp(-jnp.abs(logits))))


def setup_inputs(seed: int = 0) -> dict:
    key = jax.random.key(seed)
    ks = jax.random.split(key, 7)
    N_gene, N_drug, d = 10000, 2000, 128
    E_ppi, E_dti = 320000, 100000
    return {
        "gene_x": jax.random.normal(ks[0], (N_gene, d), dtype=jnp.float32),
        "drug_x": jax.random.normal(ks[1], (N_drug, d), dtype=jnp.float32),
        "predicted_dti": jax.random.normal(ks[2], (E_dti,), dtype=jnp.float32),
        "known_dti": jax.random.uniform(ks[3], (E_dti,), dtype=jnp.float32),
        "ppi_edge_index": jax.random.randint(ks[4], (2, E_ppi), 0, N_gene, dtype=jnp.int64) if jax.config.jax_enable_x64 else jax.random.randint(ks[4], (2, E_ppi), 0, N_gene).astype(jnp.int32),
        "dti_src": jax.random.randint(ks[5], (E_dti,), 0, N_drug).astype(jnp.int32),
        "dti_dst": jax.random.randint(ks[6], (E_dti,), 0, N_gene).astype(jnp.int32),
    }


def reference(gene_x, drug_x, predicted_dti, known_dti, ppi_edge_index, dti_src, dti_dst):
    dti_weight = 1.0
    topology_weight = 0.1

    # DTI prediction loss (BCEWithLogitsLoss)
    dti_loss = _bce_with_logits(predicted_dti, known_dti)

    # Topology loss: PPI edges (gene-gene cosine similarity pushed to 1)
    src_emb = jnp.take(gene_x, ppi_edge_index[0], axis=0)
    dst_emb = jnp.take(gene_x, ppi_edge_index[1], axis=0)
    src_n = _l2_normalize(src_emb)
    dst_n = _l2_normalize(dst_emb)
    pred_sim_ppi = jnp.sum(src_n * dst_n, axis=1)
    topo_ppi = jnp.mean((pred_sim_ppi - 1.0) ** 2)

    # Topology loss: DTI edges (drug-gene cosine similarity pushed to 1)
    src_emb2 = jnp.take(drug_x, dti_src, axis=0)
    dst_emb2 = jnp.take(gene_x, dti_dst, axis=0)
    src_n2 = _l2_normalize(src_emb2)
    dst_n2 = _l2_normalize(dst_emb2)
    pred_sim_dti = jnp.sum(src_n2 * dst_n2, axis=1)
    topo_dti = jnp.mean((pred_sim_dti - 1.0) ** 2)

    topology_loss = topo_ppi + topo_dti
    total_loss = dti_weight * dti_loss + topology_weight * topology_loss
    return total_loss

if __name__ == "__main__":
    import jax
    _d = setup_inputs()
    print(jax.jit(kernel)(*tuple(_d.values())))

</pallas_src>

<mosaic_0001>
#map = affine_map<(d0, d1) -> (0, 0)>
#map1 = affine_map<(d0, d1) -> (0)>
#map2 = affine_map<(d0, d1) -> (0, 0, 0)>
module attributes {stable_mosaic.version = 14 : i64} {
  func.func @edge_kernel(%arg0: i32, %arg1: i32, %arg2: memref<10000x64xf32, #tpu.memory_space<hbm>>, %arg3: memref<2176x64xf32, #tpu.memory_space<hbm>>, %arg4: memref<327680xi32, #tpu.memory_space<hbm>>, %arg5: memref<327680xi32, #tpu.memory_space<hbm>>, %arg6: memref<106496xi32, #tpu.memory_space<hbm>>, %arg7: memref<106496xi32, #tpu.memory_space<hbm>>, %arg8: memref<32x2x16xf32, #tpu.memory_space<hbm>>, %arg9: memref<10240xi32, #tpu.memory_space<vmem>>, %arg10: memref<10240xi32, #tpu.memory_space<vmem>>, %arg11: memref<3328xi32, #tpu.memory_space<vmem>>, %arg12: memref<3328xi32, #tpu.memory_space<vmem>>, %arg13: memref<128x64xf32, #tpu.memory_space<vmem>>, %arg14: memref<128x64xf32, #tpu.memory_space<vmem>>, %arg15: memref<128x64xf32, #tpu.memory_space<vmem>>, %arg16: memref<128x64xf32, #tpu.memory_space<vmem>>, %arg17: memref<2x16xf32, #tpu.memory_space<vmem>>, %arg18: memref<!tpu.dma_semaphore, #tpu.memory_space<semaphore_mem>>, %arg19: memref<!tpu.dma_semaphore, #tpu.memory_space<semaphore_mem>>, %arg20: memref<!tpu.dma_semaphore, #tpu.memory_space<semaphore_mem>>, %arg21: memref<!tpu.dma_semaphore, #tpu.memory_space<semaphore_mem>>) attributes {dimension_semantics = [#tpu.dimension_semantics<core_parallel>, #tpu.dimension_semantics<subcore_parallel>], iteration_bounds = array<i64: 2, 16>, scalar_prefetch = 0 : i64, scratch_operands = 13 : i64, tpu.core_type = #tpu.core_type<sc_vector_subcore>, window_params = [{transform_indices = #map}, {transform_indices = #map}, {transform_indices = #map1}, {transform_indices = #map1}, {transform_indices = #map1}, {transform_indices = #map1}, {transform_indices = #map2}]} {
    %mul3A = arith.constant 2 : i32
    %mul3A_0 = arith.muli %arg1, %mul3A : i32
    %add3A = arith.addi %mul3A_0, %arg0 : i32
    %mul3A_1 = arith.constant 10240 : i32
    %mul3A_2 = arith.muli %add3A, %mul3A_1 : i32
    "tpu.region"() ({
      %run_scoped3A = tpu.sem_alloc : memref<!tpu.dma_semaphore, #tpu.memory_space<semaphore_mem>>
      %dma_start3A_78 = tpu.memref_slice %arg4[%mul3A_2] : memref<327680xi32, #tpu.memory_space<hbm>> -> memref<10240xi32, #tpu.memory_space<hbm>>
      %dma_start3A_79 = tpu.memref_slice %arg4[%mul3A_2] : memref<327680xi32, #tpu.memory_space<hbm>> -> memref<10240xi32, #tpu.memory_space<hbm>>
      tpu.enqueue_dma source(%dma_start3A_79 : memref<10240xi32, #tpu.memory_space<hbm>>) target(%arg9 : memref<10240xi32, #tpu.memory_space<vmem>>) target_semaphore(%run_scoped3A : memref<!tpu.dma_semaphore, #tpu.memory_space<semaphore_mem>>)
      %dma_wait3A = tpu.memref_slice %arg4[%mul3A_2] : memref<327680xi32, #tpu.memory_space<hbm>> -> memref<10240xi32, #tpu.memory_space<hbm>>
      %dma_wait3A_80 = tpu.memref_slice %arg4[%mul3A_2] : memref<327680xi32, #tpu.memory_space<hbm>> -> memref<10240xi32, #tpu.memory_space<hbm>>
      tpu.wait_dma2 semaphore(%run_scoped3A : memref<!tpu.dma_semaphore, #tpu.memory_space<semaphore_mem>>) src(%dma_wait3A_80 : memref<10240xi32, #tpu.memory_space<hbm>>) dst(%arg9 : memref<10240xi32, #tpu.memory_space<vmem>>)
      tpu.yield
    }) : () -> ()
    %mul3A_3 = arith.constant 10240 : i32
    %mul3A_4 = arith.muli %add3A, %mul3A_3 : i32
    "tpu.region"() ({
      %run_scoped3A = tpu.sem_alloc : memref<!tpu.dma_semaphore, #tpu.memory_space<semaphore_mem>>
      %dma_start3A_78 = tpu.memref_slice %arg5[%mul3A_4] : memref<327680xi32, #tpu.memory_space<hbm>> -> memref<10240xi32, #tpu.memory_space<hbm>>
      %dma_start3A_79 = tpu.memref_slice %arg5[%mul3A_4] : memref<327680xi32, #tpu.memory_space<hbm>> -> memref<10240xi32, #tpu.memory_space<hbm>>
      tpu.enqueue_dma source(%dma_start3A_79 : memref<10240xi32, #tpu.memory_space<hbm>>) target(%arg10 : memref<10240xi32, #tpu.memory_space<vmem>>) target_semaphore(%run_scoped3A : memref<!tpu.dma_semaphore, #tpu.memory_space<semaphore_mem>>)
      %dma_wait3A = tpu.memref_slice %arg5[%mul3A_4] : memref<327680xi32, #tpu.memory_space<hbm>> -> memref<10240xi32, #tpu.memory_space<hbm>>
      %dma_wait3A_80 = tpu.memref_slice %arg5[%mul3A_4] : memref<327680xi32, #tpu.memory_space<hbm>> -> memref<10240xi32, #tpu.memory_space<hbm>>
      tpu.wait_dma2 semaphore(%run_scoped3A : memref<!tpu.dma_semaphore, #tpu.memory_space<semaphore_mem>>) src(%dma_wait3A_80 : memref<10240xi32, #tpu.memory_space<hbm>>) dst(%arg10 : memref<10240xi32, #tpu.memory_space<vmem>>)
      tpu.yield
    }) : () -> ()
    %mul3A_5 = arith.constant 3328 : i32
    %mul3A_6 = arith.muli %add3A, %mul3A_5 : i32
    "tpu.region"() ({
      %run_scoped3A = tpu.sem_alloc : memref<!tpu.dma_semaphore, #tpu.memory_space<semaphore_mem>>
      %dma_start3A_78 = tpu.memref_slice %arg6[%mul3A_6] : memref<106496xi32, #tpu.memory_space<hbm>> -> memref<3328xi32, #tpu.memory_space<hbm>>
      %dma_start3A_79 = tpu.memref_slice %arg6[%mul3A_6] : memref<106496xi32, #tpu.memory_space<hbm>> -> memref<3328xi32, #tpu.memory_space<hbm>>
      tpu.enqueue_dma source(%dma_start3A_79 : memref<3328xi32, #tpu.memory_space<hbm>>) target(%arg11 : memref<3328xi32, #tpu.memory_space<vmem>>) target_semaphore(%run_scoped3A : memref<!tpu.dma_semaphore, #tpu.memory_space<semaphore_mem>>)
      %dma_wait3A = tpu.memref_slice %arg6[%mul3A_6] : memref<106496xi32, #tpu.memory_space<hbm>> -> memref<3328xi32, #tpu.memory_space<hbm>>
      %dma_wait3A_80 = tpu.memref_slice %arg6[%mul3A_6] : memref<106496xi32, #tpu.memory_space<hbm>> -> memref<3328xi32, #tpu.memory_space<hbm>>
      tpu.wait_dma2 semaphore(%run_scoped3A : memref<!tpu.dma_semaphore, #tpu.memory_space<semaphore_mem>>) src(%dma_wait3A_80 : memref<3328xi32, #tpu.memory_space<hbm>>) dst(%arg11 : memref<3328xi32, #tpu.memory_space<vmem>>)
      tpu.yield
    }) : () -> ()
    %mul3A_7 = arith.constant 3328 : i32
    %mul3A_8 = arith.muli %add3A, %mul3A_7 : i32
    "tpu.region"() ({
      %run_scoped3A = tpu.sem_alloc : memref<!tpu.dma_semaphore, #tpu.memory_space<semaphore_mem>>
      %dma_start3A_78 = tpu.memref_slice %arg7[%mul3A_8] : memref<106496xi32, #tpu.memory_space<hbm>> -> memref<3328xi32, #tpu.memory_space<hbm>>
      %dma_start3A_79 = tpu.memref_slice %arg7[%mul3A_8] : memref<106496xi32, #tpu.memory_space<hbm>> -> memref<3328xi32, #tpu.memory_space<hbm>>
      tpu.enqueue_dma source(%dma_start3A_79 : memref<3328xi32, #tpu.memory_space<hbm>>) target(%arg12 : memref<3328xi32, #tpu.memory_space<vmem>>) target_semaphore(%run_scoped3A : memref<!tpu.dma_semaphore, #tpu.memory_space<semaphore_mem>>)
      %dma_wait3A = tpu.memref_slice %arg7[%mul3A_8] : memref<106496xi32, #tpu.memory_space<hbm>> -> memref<3328xi32, #tpu.memory_space<hbm>>
      %dma_wait3A_80 = tpu.memref_slice %arg7[%mul3A_8] : memref<106496xi32, #tpu.memory_space<hbm>> -> memref<3328xi32, #tpu.memory_space<hbm>>
      tpu.wait_dma2 semaphore(%run_scoped3A : memref<!tpu.dma_semaphore, #tpu.memory_space<semaphore_mem>>) src(%dma_wait3A_80 : memref<3328xi32, #tpu.memory_space<hbm>>) dst(%arg12 : memref<3328xi32, #tpu.memory_space<vmem>>)
      tpu.yield
    }) : () -> ()
    %dma_start3A = arith.constant 0 : i32
    %dma_start3A_9 = tpu.memref_slice %arg9[%dma_start3A] : memref<10240xi32, #tpu.memory_space<vmem>> -> memref<128xi32, #tpu.memory_space<vmem>>
    %dma_start3A_10 = arith.constant 0 : i32
    %dma_start3A_11 = arith.constant 0 : i32
    %dma_start3A_12 = tpu.memref_slice %arg2[%dma_start3A_10, %dma_start3A_11] : memref<10000x64xf32, #tpu.memory_space<hbm>> -> memref<10000x64xf32, #tpu.memory_space<hbm>>
    tpu.enqueue_indirect_dma source(%dma_start3A_12 : memref<10000x64xf32, #tpu.memory_space<hbm>>) target(%arg13 : memref<128x64xf32, #tpu.memory_space<vmem>>) offsets(%dma_start3A_9 : memref<128xi32, #tpu.memory_space<vmem>>) semaphore(%arg18 : memref<!tpu.dma_semaphore, #tpu.memory_space<semaphore_mem>>)
    %dma_start3A_13 = arith.constant 0 : i32
    %dma_start3A_14 = tpu.memref_slice %arg10[%dma_start3A_13] : memref<10240xi32, #tpu.memory_space<vmem>> -> memref<128xi32, #tpu.memory_space<vmem>>
    %dma_start3A_15 = arith.constant 0 : i32
    %dma_start3A_16 = arith.constant 0 : i32
    %dma_start3A_17 = tpu.memref_slice %arg2[%dma_start3A_15, %dma_start3A_16] : memref<10000x64xf32, #tpu.memory_space<hbm>> -> memref<10000x64xf32, #tpu.memory_space<hbm>>
    tpu.enqueue_indirect_dma source(%dma_start3A_17 : memref<10000x64xf32, #tpu.memory_space<hbm>>) target(%arg14 : memref<128x64xf32, #tpu.memory_space<vmem>>) offsets(%dma_start3A_14 : memref<128xi32, #tpu.memory_space<vmem>>) semaphore(%arg20 : memref<!tpu.dma_semaphore, #tpu.memory_space<semaphore_mem>>)
    %dma_start3A_18 = arith.constant 128 : i32
    %dma_start3A_19 = tpu.memref_slice %arg9[%dma_start3A_18] : memref<10240xi32, #tpu.memory_space<vmem>> -> memref<128xi32, #tpu.memory_space<vmem>>
    %dma_start3A_20 = arith.constant 0 : i32
    %dma_start3A_21 = arith.constant 0 : i32
    %dma_start3A_22 = tpu.memref_slice %arg2[%dma_start3A_20, %dma_start3A_21] : memref<10000x64xf32, #tpu.memory_space<hbm>> -> memref<10000x64xf32, #tpu.memory_space<hbm>>
    tpu.enqueue_indirect_dma source(%dma_start3A_22 : memref<10000x64xf32, #tpu.memory_space<hbm>>) target(%arg15 : memref<128x64xf32, #tpu.memory_space<vmem>>) offsets(%dma_start3A_19 : memref<128xi32, #tpu.memory_space<vmem>>) semaphore(%arg19 : memref<!tpu.dma_semaphore, #tpu.memory_space<semaphore_mem>>)
    %dma_start3A_23 = arith.constant 128 : i32
    %dma_start3A_24 = tpu.memref_slice %arg10[%dma_start3A_23] : memref<10240xi32, #tpu.memory_space<vmem>> -> memref<128xi32, #tpu.memory_space<vmem>>
    %dma_start3A_25 = arith.constant 0 : i32
    %dma_start3A_26 = arith.constant 0 : i32
    %dma_start3A_27 = tpu.memref_slice %arg2[%dma_start3A_25, %dma_start3A_26] : memref<10000x64xf32, #tpu.memory_space<hbm>> -> memref<10000x64xf32, #tpu.memory_space<hbm>>
    tpu.enqueue_indirect_dma source(%dma_start3A_27 : memref<10000x64xf32, #tpu.memory_space<hbm>>) target(%arg16 : memref<128x64xf32, #tpu.memory_space<vmem>>) offsets(%dma_start3A_24 : memref<128xi32, #tpu.memory_space<vmem>>) semaphore(%arg21 : memref<!tpu.dma_semaphore, #tpu.memory_space<semaphore_mem>>)
    %scan3A = arith.constant 0.000000e+00 : f32
    %scan3A_28 = arith.constant 0 : i32
    %scan3A_29 = arith.constant 40 : i32
    %scan3A_30 = arith.addi %scan3A_28, %scan3A_29 : i32
    %scan3A_31 = arith.constant 1 : i32
    %scan3A_32 = scf.for %scan3A_78 = %scan3A_28 to %scan3A_30 step %scan3A_31 iter_args(%scan3A_79 = %scan3A) -> (f32)  : i32 {
      %mul3A_80 = arith.constant 2 : i32
      %mul3A_81 = arith.muli %mul3A_80, %scan3A_78 : i32
      %add3A_82 = arith.constant 0 : i32
      %add3A_83 = arith.addi %mul3A_81, %add3A_82 : i32
      %dma_wait3A = arith.constant 0 : i32
      %dma_wait3A_84 = tpu.memref_slice %arg9[%dma_wait3A] : memref<10240xi32, #tpu.memory_space<vmem>> -> memref<128xi32, #tpu.memory_space<vmem>>
      %dma_wait3A_85 = arith.constant 0 : i32
      %dma_wait3A_86 = arith.constant 0 : i32
      %dma_wait3A_87 = tpu.memref_slice %arg2[%dma_wait3A_85, %dma_wait3A_86] : memref<10000x64xf32, #tpu.memory_space<hbm>> -> memref<10000x64xf32, #tpu.memory_space<hbm>>
      tpu.wait_indirect_dma semaphore(%arg18 : memref<!tpu.dma_semaphore, #tpu.memory_space<semaphore_mem>>) src(%dma_wait3A_87 : memref<10000x64xf32, #tpu.memory_space<hbm>>) dst(%arg13 : memref<128x64xf32, #tpu.memory_space<vmem>>)
      %dma_wait3A_88 = arith.constant 0 : i32
      %dma_wait3A_89 = tpu.memref_slice %arg10[%dma_wait3A_88] : memref<10240xi32, #tpu.memory_space<vmem>> -> memref<128xi32, #tpu.memory_space<vmem>>
      %dma_wait3A_90 = arith.constant 0 : i32
      %dma_wait3A_91 = arith.constant 0 : i32
      %dma_wait3A_92 = tpu.memref_slice %arg2[%dma_wait3A_90, %dma_wait3A_91] : memref<10000x64xf32, #tpu.memory_space<hbm>> -> memref<10000x64xf32, #tpu.memory_space<hbm>>
      tpu.wait_indirect_dma semaphore(%arg20 : memref<!tpu.dma_semaphore, #tpu.memory_space<semaphore_mem>>) src(%dma_wait3A_92 : memref<10000x64xf32, #tpu.memory_space<hbm>>) dst(%arg14 : memref<128x64xf32, #tpu.memory_space<vmem>>)
      %add3A_93 = arith.constant 2 : i32
      %add3A_94 = arith.addi %add3A_83, %add3A_93 : i32
      %lt3A = arith.constant 80 : i32
      %lt3A_95 = arith.cmpi slt, %add3A_94, %lt3A : i32
      %convert_element_type3A = arith.extui %lt3A_95 : i1 to i32
      %cond3A = arith.constant 0 : i32
      %cond3A_96 = arith.cmpi ne, %convert_element_type3A, %cond3A : i32
      scf.if %cond3A_96 {
        %add3A_130 = arith.constant 2 : i32
        %add3A_131 = arith.addi %add3A_83, %add3A_130 : i32
        %mul3A_132 = arith.constant 128 : i32
        %mul3A_133 = arith.muli %add3A_131, %mul3A_132 : i32
        %dma_start3A_134 = tpu.memref_slice %arg9[%mul3A_133] : memref<10240xi32, #tpu.memory_space<vmem>> -> memref<128xi32, #tpu.memory_space<vmem>>
        %dma_start3A_135 = arith.constant 0 : i32
        %dma_start3A_136 = arith.constant 0 : i32
        %dma_start3A_137 = tpu.memref_slice %arg2[%dma_start3A_135, %dma_start3A_136] : memref<10000x64xf32, #tpu.memory_space<hbm>> -> memref<10000x64xf32, #tpu.memory_space<hbm>>
        tpu.enqueue_indirect_dma source(%dma_start3A_137 : memref<10000x64xf32, #tpu.memory_space<hbm>>) target(%arg13 : memref<128x64xf32, #tpu.memory_space<vmem>>) offsets(%dma_start3A_134 : memref<128xi32, #tpu.memory_space<vmem>>) semaphore(%arg18 : memref<!tpu.dma_semaphore, #tpu.memory_space<semaphore_mem>>)
        %mul3A_138 = arith.constant 128 : i32
        %mul3A_139 = arith.muli %add3A_131, %mul3A_138 : i32
        %dma_start3A_140 = tpu.memref_slice %arg10[%mul3A_139] : memref<10240xi32, #tpu.memory_space<vmem>> -> memref<128xi32, #tpu.memory_space<vmem>>
        %dma_start3A_141 = arith.constant 0 : i32
        %dma_start3A_142 = arith.constant 0 : i32
        %dma_start3A_143 = tpu.memref_slice %arg2[%dma_start3A_141, %dma_start3A_142] : memref<10000x64xf32, #tpu.memory_space<hbm>> -> memref<10000x64xf32, #tpu.memory_space<hbm>>
        tpu.enqueue_indirect_dma source(%dma_start3A_143 : memref<10000x64xf32, #tpu.memory_space<hbm>>) target(%arg14 : memref<128x64xf32, #tpu.memory_space<vmem>>) offsets(%dma_start3A_140 : memref<128xi32, #tpu.memory_space<vmem>>) semaphore(%arg20 : memref<!tpu.dma_semaphore, #tpu.memory_space<semaphore_mem>>)
      } else {
      }
      %scan3A_97 = arith.constant 0 : i32
      %scan3A_98 = arith.constant 32 : i32
      %scan3A_99 = arith.addi %scan3A_97, %scan3A_98 : i32
      %scan3A_100 = arith.constant 1 : i32
      %scan3A_101 = scf.for %scan3A_130 = %scan3A_97 to %scan3A_99 step %scan3A_100 iter_args(%scan3A_131 = %scan3A_79) -> (f32)  : i32 {
        %mul3A_132 = arith.constant 4 : i32
        %mul3A_133 = arith.muli %mul3A_132, %scan3A_130 : i32
        %get3A = arith.index_cast %mul3A_133 : i32 to index
        %get3A_134 = arith.constant 0 : index
        %get3A_135 = tpu.vector_load %arg13[%get3A, %get3A_134] {strides = array<i32>} : memref<128x64xf32, #tpu.memory_space<vmem>>, vector<16xf32>,
        %bitcast3A = vector.bitcast %get3A_135 : vector<16xf32> to vector<32xbf16>
        %get3A_136 = arith.index_cast %mul3A_133 : i32 to index
        %get3A_137 = arith.constant 0 : index
        %get3A_138 = tpu.vector_load %arg14[%get3A_136, %get3A_137] {strides = array<i32>} : memref<128x64xf32, #tpu.memory_space<vmem>>, vector<16xf32>,
        %bitcast3A_139 = vector.bitcast %get3A_138 : vector<16xf32> to vector<32xbf16>
        %mul3A_140 = arith.mulf %bitcast3A, %bitcast3A_139 : vector<32xbf16>
        %get3A_141 = arith.index_cast %mul3A_133 : i32 to index
        %get3A_142 = arith.constant 16 : index
        %get3A_143 = tpu.vector_load %arg13[%get3A_141, %get3A_142] {strides = array<i32>} : memref<128x64xf32, #tpu.memory_space<vmem>>, vector<16xf32>,
        %bitcast3A_144 = vector.bitcast %get3A_143 : vector<16xf32> to vector<32xbf16>
        %get3A_145 = arith.index_cast %mul3A_133 : i32 to index
        %get3A_146 = arith.constant 16 : index
        %get3A_147 = tpu.vector_load %arg14[%get3A_145, %get3A_146] {strides = array<i32>} : memref<128x64xf32, #tpu.memory_space<vmem>>, vector<16xf32>,
        %bitcast3A_148 = vector.bitcast %get3A_147 : vector<16xf32> to vector<32xbf16>
        %mul3A_149 = arith.mulf %bitcast3A_144, %bitcast3A_148 : vector<32xbf16>
        %add3A_150 = arith.addf %mul3A_140, %mul3A_149 : vector<32xbf16>
        %get3A_151 = arith.index_cast %mul3A_133 : i32 to index
        %get3A_152 = arith.constant 32 : index
        %get3A_153 = tpu.vector_load %arg13[%get3A_151, %get3A_152] {strides = array<i32>} : memref<128x64xf32, #tpu.memory_space<vmem>>, vector<16xf32>,
        %bitcast3A_154 = vector.bitcast %get3A_153 : vector<16xf32> to vector<32xbf16>
        %get3A_155 = arith.index_cast %mul3A_133 : i32 to index
        %get3A_156 = arith.constant 32 : index
        %get3A_157 = tpu.vector_load %arg14[%get3A_155, %get3A_156] {strides = array<i32>} : memref<128x64xf32, #tpu.memory_space<vmem>>, vector<16xf32>,
        %bitcast3A_158 = vector.bitcast %get3A_157 : vector<16xf32> to vector<32xbf16>
        %mul3A_159 = arith.mulf %bitcast3A_154, %bitcast3A_158 : vector<32xbf16>
        %add3A_160 = arith.addf %add3A_150, %mul3A_159 : vector<32xbf16>
        %get3A_161 = arith.index_cast %mul3A_133 : i32 to index
        %get3A_162 = arith.constant 48 : index
        %get3A_163 = tpu.vector_load %arg13[%get3A_161, %get3A_162] {strides = array<i32>} : memref<128x64xf32, #tpu.memory_space<vmem>>, vector<16xf32>,
        %bitcast3A_164 = vector.bitcast %get3A_163 : vector<16xf32> to vector<32xbf16>
        %get3A_165 = arith.index_cast %mul3A_133 : i32 to index
        %get3A_166 = arith.constant 48 : index
        %get3A_167 = tpu.vector_load %arg14[%get3A_165, %get3A_166] {strides = array<i32>} : memref<128x64xf32, #tpu.memory_space<vmem>>, vector<16xf32>,
        %bitcast3A_168 = vector.bitcast %get3A_167 : vector<16xf32> to vector<32xbf16>
        %mul3A_169 = arith.mulf %bitcast3A_164, %bitcast3A_168 : vector<32xbf16>
        %add3A_170 = arith.addf %add3A_160, %mul3A_169 : vector<32xbf16>
        %unpack3A = tpu.unpack_subelements %add3A_170, 0 {pack_format = #tpu.pack_format<interleaved>} : vector<32xbf16> -> vector<16xf32>
        %unpack3A_171 = tpu.unpack_subelements %add3A_170, 1 {pack_format = #tpu.pack_format<interleaved>} : vector<32xbf16> -> vector<16xf32>
        %add3A_172 = arith.addf %unpack3A, %unpack3A_171 : vector<16xf32>
        %reduce_sum3A = arith.constant true
        %reduce_sum3A_173 = vector.broadcast %reduce_sum3A : i1 to vector<16xi1>
        %reduce_sum3A_174 = tpu.scan <sum>, %add3A_172 masked %reduce_sum3A_173 : vector<16xf32>, vector<16xi1> -> vector<16xf32>
        %reduce_sum3A_175 = vector.extract %reduce_sum3A_174[15] : f32 from vector<16xf32>
        %sub3A = arith.constant 1.000000e+00 : f32
        %sub3A_176 = arith.subf %reduce_sum3A_175, %sub3A : f32
        %mul3A_177 = arith.mulf %sub3A_176, %sub3A_176 : f32
        %add3A_178 = arith.addf %scan3A_131, %mul3A_177 : f32
        %mul3A_179 = arith.constant 4 : i32
        %mul3A_180 = arith.muli %mul3A_179, %scan3A_130 : i32
        %add3A_181 = arith.constant 1 : i32
        %add3A_182 = arith.addi %mul3A_180, %add3A_181 : i32
        %get3A_183 = arith.index_cast %add3A_182 : i32 to index
        %get3A_184 = arith.constant 0 : index
        %get3A_185 = tpu.vector_load %arg13[%get3A_183, %get3A_184] {strides = array<i32>} : memref<128x64xf32, #tpu.memory_space<vmem>>, vector<16xf32>,
        %bitcast3A_186 = vector.bitcast %get3A_185 : vector<16xf32> to vector<32xbf16>
        %get3A_187 = arith.index_cast %add3A_182 : i32 to index
        %get3A_188 = arith.constant 0 : index
        %get3A_189 = tpu.vector_load %arg14[%get3A_187, %get3A_188] {strides = array<i32>} : memref<128x64xf32, #tpu.memory_space<vmem>>, vector<16xf32>,
        %bitcast3A_190 = vector.bitcast %get3A_189 : vector<16xf32> to vector<32xbf16>
        %mul3A_191 = arith.mulf %bitcast3A_186, %bitcast3A_190 : vector<32xbf16>
        %get3A_192 = arith.index_cast %add3A_182 : i32 to index
        %get3A_193 = arith.constant 16 : index
        %get3A_194 = tpu.vector_load %arg13[%get3A_192, %get3A_193] {strides = array<i32>} : memref<128x64xf32, #tpu.memory_space<vmem>>, vector<16xf32>,
        %bitcast3A_195 = vector.bitcast %get3A_194 : vector<16xf32> to vector<32xbf16>
        %get3A_196 = arith.index_cast %add3A_182 : i32 to index
        %get3A_197 = arith.constant 16 : index
        %get3A_198 = tpu.vector_load %arg14[%get3A_196, %get3A_197] {strides = array<i32>} : memref<128x64xf32, #tpu.memory_space<vmem>>, vector<16xf32>,
        %bitcast3A_199 = vector.bitcast %get3A_198 : vector<16xf32> to vector<32xbf16>
        %mul3A_200 = arith.mulf %bitcast3A_195, %bitcast3A_199 : vector<32xbf16>
        %add3A_201 = arith.addf %mul3A_191, %mul3A_200 : vector<32xbf16>
        %get3A_202 = arith.index_cast %add3A_182 : i32 to index
        %get3A_203 = arith.constant 32 : index
        %get3A_204 = tpu.vector_load %arg13[%get3A_202, %get3A_203] {strides = array<i32>} : memref<128x64xf32, #tpu.memory_space<vmem>>, vector<16xf32>,
        %bitcast3A_205 = vector.bitcast %get3A_204 : vector<16xf32> to vector<32xbf16>
        %get3A_206 = arith.index_cast %add3A_182 : i32 to index
        %get3A_207 = arith.constant 32 : index
        %get3A_208 = tpu.vector_load %arg14[%get3A_206, %get3A_207] {strides = array<i32>} : memref<128x64xf32, #tpu.memory_space<vmem>>, vector<16xf32>,
        %bitcast3A_209 = vector.bitcast %get3A_208 : vector<16xf32> to vector<32xbf16>
        %mul3A_210 = arith.mulf %bitcast3A_205, %bitcast3A_209 : vector<32xbf16>
        %add3A_211 = arith.addf %add3A_201, %mul3A_210 : vector<32xbf16>
        %get3A_212 = arith.index_cast %add3A_182 : i32 to index
        %get3A_213 = arith.constant 48 : index
        %get3A_214 = tpu.vector_load %arg13[%get3A_212, %get3A_213] {strides = array<i32>} : memref<128x64xf32, #tpu.memory_space<vmem>>, vector<16xf32>,
        %bitcast3A_215 = vector.bitcast %get3A_214 : vector<16xf32> to vector<32xbf16>
        %get3A_216 = arith.index_cast %add3A_182 : i32 to index
        %get3A_217 = arith.constant 48 : index
        %get3A_218 = tpu.vector_load %arg14[%get3A_216, %get3A_217] {strides = array<i32>} : memref<128x64xf32, #tpu.memory_space<vmem>>, vector<16xf32>,
        %bitcast3A_219 = vector.bitcast %get3A_218 : vector<16xf32> to vector<32xbf16>
        %mul3A_220 = arith.mulf %bitcast3A_215, %bitcast3A_219 : vector<32xbf16>
        %add3A_221 = arith.addf %add3A_211, %mul3A_220 : vector<32xbf16>
        %unpack3A_222 = tpu.unpack_subelements %add3A_221, 0 {pack_format = #tpu.pack_format<interleaved>} : vector<32xbf16> -> vector<16xf32>
        %unpack3A_223 = tpu.unpack_subelements %add3A_221, 1 {pack_format = #tpu.pack_format<interleaved>} : vector<32xbf16> -> vector<16xf32>
        %add3A_224 = arith.addf %unpack3A_222, %unpack3A_223 : vector<16xf32>
        %reduce_sum3A_225 = arith.constant true
        %reduce_sum3A_226 = vector.broadcast %reduce_sum3A_225 : i1 to vector<16xi1>
        %reduce_sum3A_227 = tpu.scan <sum>, %add3A_224 masked %reduce_sum3A_226 : vector<16xf32>, vector<16xi1> -> vector<16xf32>
        %reduce_sum3A_228 = vector.extract %reduce_sum3A_227[15] : f32 from vector<16xf32>
        %sub3A_229 = arith.constant 1.000000e+00 : f32
        %sub3A_230 = arith.subf %reduce_sum3A_228, %sub3A_229 : f32
        %mul3A_231 = arith.mulf %sub3A_230, %sub3A_230 : f32
        %add3A_232 = arith.addf %add3A_178, %mul3A_231 : f32
        %mul3A_233 = arith.constant 4 : i32
        %mul3A_234 = arith.muli %mul3A_233, %scan3A_130 : i32
        %add3A_235 = arith.constant 2 : i32
        %add3A_236 = arith.addi %mul3A_234, %add3A_235 : i32
        %get3A_237 = arith.index_cast %add3A_236 : i32 to index
        %get3A_238 = arith.constant 0 : index
        %get3A_239 = tpu.vector_load %arg13[%get3A_237, %get3A_238] {strides = array<i32>} : memref<128x64xf32, #tpu.memory_space<vmem>>, vector<16xf32>,
        %bitcast3A_240 = vector.bitcast %get3A_239 : vector<16xf32> to vector<32xbf16>
        %get3A_241 = arith.index_cast %add3A_236 : i32 to index
        %get3A_242 = arith.constant 0 : index
        %get3A_243 = tpu.vector_load %arg14[%get3A_241, %get3A_242] {strides = array<i32>} : memref<128x64xf32, #tpu.memory_space<vmem>>, vector<16xf32>,
        %bitcast3A_244 = vector.bitcast %get3A_243 : vector<16xf32> to vector<32xbf16>
        %mul3A_245 = arith.mulf %bitcast3A_240, %bitcast3A_244 : vector<32xbf16>
        %get3A_246 = arith.index_cast %add3A_236 : i32 to index
        %get3A_247 = arith.constant 16 : index
        %get3A_248 = tpu.vector_load %arg13[%get3A_246, %get3A_247] {strides = array<i32>} : memref<128x64xf32, #tpu.memory_space<vmem>>, vector<16xf32>,
        %bitcast3A_249 = vector.bitcast %get3A_248 : vector<16xf32> to vector<32xbf16>
        %get3A_250 = arith.index_cast %add3A_236 : i32 to index
        %get3A_251 = arith.constant 16 : index
        %get3A_252 = tpu.vector_load %arg14[%get3A_250, %get3A_251] {strides = array<i32>} : memref<128x64xf32, #tpu.memory_space<vmem>>, vector<16xf32>,
        %bitcast3A_253 = vector.bitcast %get3A_252 : vector<16xf32> to vector<32xbf16>
        %mul3A_254 = arith.mulf %bitcast3A_249, %bitcast3A_253 : vector<32xbf16>
        %add3A_255 = arith.addf %mul3A_245, %mul3A_254 : vector<32xbf16>
        %get3A_256 = arith.index_cast %add3A_236 : i32 to index
        %get3A_257 = arith.constant 32 : index
        %get3A_258 = tpu.vector_load %arg13[%get3A_256, %get3A_257] {strides = array<i32>} : memref<128x64xf32, #tpu.memory_space<vmem>>, vector<16xf32>,
        %bitcast3A_259 = vector.bitcast %get3A_258 : vector<16xf32> to vector<32xbf16>
        %get3A_260 = arith.index_cast %add3A_236 : i32 to index
        %get3A_261 = arith.constant 32 : index
        %get3A_262 = tpu.vector_load %arg14[%get3A_260, %get3A_261] {strides = array<i32>} : memref<128x64xf32, #tpu.memory_space<vmem>>, vector<16xf32>,
        %bitcast3A_263 = vector.bitcast %get3A_262 : vector<16xf32> to vector<32xbf16>
        %mul3A_264 = arith.mulf %bitcast3A_259, %bitcast3A_263 : vector<32xbf16>
        %add3A_265 = arith.addf %add3A_255, %mul3A_264 : vector<32xbf16>
        %get3A_266 = arith.index_cast %add3A_236 : i32 to index
        %get3A_267 = arith.constant 48 : index
        %get3A_268 = tpu.vector_load %arg13[%get3A_266, %get3A_267] {strides = array<i32>} : memref<128x64xf32, #tpu.memory_space<vmem>>, vector<16xf32>,
        %bitcast3A_269 = vector.bitcast %get3A_268 : vector<16xf32> to vector<32xbf16>
        %get3A_270 = arith.index_cast %add3A_236 : i32 to index
        %get3A_271 = arith.constant 48 : index
        %get3A_272 = tpu.vector_load %arg14[%get3A_270, %get3A_271] {strides = array<i32>} : memref<128x64xf32, #tpu.memory_space<vmem>>, vector<16xf32>,
        %bitcast3A_273 = vector.bitcast %get3A_272 : vector<16xf32> to vector<32xbf16>
        %mul3A_274 = arith.mulf %bitcast3A_269, %bitcast3A_273 : vector<32xbf16>
        %add3A_275 = arith.addf %add3A_265, %mul3A_274 : vector<32xbf16>
        %unpack3A_276 = tpu.unpack_subelements %add3A_275, 0 {pack_format = #tpu.pack_format<interleaved>} : vector<32xbf16> -> vector<16xf32>
        %unpack3A_277 = tpu.unpack_subelements %add3A_275, 1 {pack_format = #tpu.pack_format<interleaved>} : vector<32xbf16> -> vector<16xf32>
        %add3A_278 = arith.addf %unpack3A_276, %unpack3A_277 : vector<16xf32>
        %reduce_sum3A_279 = arith.constant true
        %reduce_sum3A_280 = vector.broadcast %reduce_sum3A_279 : i1 to vector<16xi1>
        %reduce_sum3A_281 = tpu.scan <sum>, %add3A_278 masked %reduce_sum3A_280 : vector<16xf32>, vector<16xi1> -> vector<16xf32>
        %reduce_sum3A_282 = vector.extract %reduce_sum3A_281[15] : f32 from vector<16xf32>
        %sub3A_283 = arith.constant 1.000000e+00 : f32
        %sub3A_284 = arith.subf %reduce_sum3A_282, %sub3A_283 : f32
        %mul3A_285 = arith.mulf %sub3A_284, %sub3A_284 : f32
        %add3A_286 = arith.addf %add3A_232, %mul3A_285 : f32
        %mul3A_287 = arith.constant 4 : i32
        %mul3A_288 = arith.muli %mul3A_287, %scan3A_130 : i32
        %add3A_289 = arith.constant 3 : i32
        %add3A_290 = arith.addi %mul3A_288, %add3A_289 : i32
        %get3A_291 = arith.index_cast %add3A_290 : i32 to index
        %get3A_292 = arith.constant 0 : index
        %get3A_293 = tpu.vector_load %arg13[%get3A_291, %get3A_292] {strides = array<i32>} : memref<128x64xf32, #tpu.memory_space<vmem>>, vector<16xf32>,
        %bitcast3A_294 = vector.bitcast %get3A_293 : vector<16xf32> to vector<32xbf16>
        %get3A_295 = arith.index_cast %add3A_290 : i32 to index
        %get3A_296 = arith.constant 0 : index
        %get3A_297 = tpu.vector_load %arg14[%get3A_295, %get3A_296] {strides = array<i32>} : memref<128x64xf32, #tpu.memory_space<vmem>>, vector<16xf32>,
        %bitcast3A_298 = vector.bitcast %get3A_297 : vector<16xf32> to vector<32xbf16>
        %mul3A_299 = arith.mulf %bitcast3A_294, %bitcast3A_298 : vector<32xbf16>
        %get3A_300 = arith.index_cast %add3A_290 : i32 to index
        %get3A_301 = arith.constant 16 : index
        %get3A_302 = tpu.vector_load %arg13[%get3A_300, %get3A_301] {strides = array<i32>} : memref<128x64xf32, #tpu.memory_space<vmem>>, vector<16xf32>,
        %bitcast3A_303 = vector.bitcast %get3A_302 : vector<16xf32> to vector<32xbf16>
        %get3A_304 = arith.index_cast %add3A_290 : i32 to index
        %get3A_305 = arith.constant 16 : index
        %get3A_306 = tpu.vector_load %arg14[%get3A_304, %get3A_305] {strides = array<i32>} : memref<128x64xf32, #tpu.memory_space<vmem>>, vector<16xf32>,
        %bitcast3A_307 = vector.bitcast %get3A_306 : vector<16xf32> to vector<32xbf16>
        %mul3A_308 = arith.mulf %bitcast3A_303, %bitcast3A_307 : vector<32xbf16>
        %add3A_309 = arith.addf %mul3A_299, %mul3A_308 : vector<32xbf16>
        %get3A_310 = arith.index_cast %add3A_290 : i32 to index
        %get3A_311 = arith.constant 32 : index
        %get3A_312 = tpu.vector_load %arg13[%get3A_310, %get3A_311] {strides = array<i32>} : memref<128x64xf32, #tpu.memory_space<vmem>>, vector<16xf32>,
        %bitcast3A_313 = vector.bitcast %get3A_312 : vector<16xf32> to vector<32xbf16>
        %get3A_314 = arith.index_cast %add3A_290 : i32 to index
        %get3A_315 = arith.constant 32 : index
        %get3A_316 = tpu.vector_load %arg14[%get3A_314, %get3A_315] {strides = array<i32>} : memref<128x64xf32, #tpu.memory_space<vmem>>, vector<16xf32>,
        %bitcast3A_317 = vector.bitcast %get3A_316 : vector<16xf32> to vector<32xbf16>
        %mul3A_318 = arith.mulf %bitcast3A_313, %bitcast3A_317 : vector<32xbf16>
        %add3A_319 = arith.addf %add3A_309, %mul3A_318 : vector<32xbf16>
        %get3A_320 = arith.index_cast %add3A_290 : i32 to index
        %get3A_321 = arith.constant 48 : index
        %get3A_322 = tpu.vector_load %arg13[%get3A_320, %get3A_321] {strides = array<i32>} : memref<128x64xf32, #tpu.memory_space<vmem>>, vector<16xf32>,
        %bitcast3A_323 = vector.bitcast %get3A_322 : vector<16xf32> to vector<32xbf16>
        %get3A_324 = arith.index_cast %add3A_290 : i32 to index
        %get3A_325 = arith.constant 48 : index
        %get3A_326 = tpu.vector_load %arg14[%get3A_324, %get3A_325] {strides = array<i32>} : memref<128x64xf32, #tpu.memory_space<vmem>>, vector<16xf32>,
        %bitcast3A_327 = vector.bitcast %get3A_326 : vector<16xf32> to vector<32xbf16>
        %mul3A_328 = arith.mulf %bitcast3A_323, %bitcast3A_327 : vector<32xbf16>
        %add3A_329 = arith.addf %add3A_319, %mul3A_328 : vector<32xbf16>
        %unpack3A_330 = tpu.unpack_subelements %add3A_329, 0 {pack_format = #tpu.pack_format<interleaved>} : vector<32xbf16> -> vector<16xf32>
        %unpack3A_331 = tpu.unpack_subelements %add3A_329, 1 {pack_format = #tpu.pack_format<interleaved>} : vector<32xbf16> -> vector<16xf32>
        %add3A_332 = arith.addf %unpack3A_330, %unpack3A_331 : vector<16xf32>
        %reduce_sum3A_333 = arith.constant true
        %reduce_sum3A_334 = vector.broadcast %reduce_sum3A_333 : i1 to vector<16xi1>
        %reduce_sum3A_335 = tpu.scan <sum>, %add3A_332 masked %reduce_sum3A_334 : vector<16xf32>, vector<16xi1> -> vector<16xf32>
        %reduce_sum3A_336 = vector.extract %reduce_sum3A_335[15] : f32 from vector<16xf32>
        %sub3A_337 = arith.constant 1.000000e+00 : f32
        %sub3A_338 = arith.subf %reduce_sum3A_336, %sub3A_337 : f32
        %mul3A_339 = arith.mulf %sub3A_338, %sub3A_338 : f32
        %add3A_340 = arith.addf %add3A_286, %mul3A_339 : f32
        scf.yield %add3A_340 : f32
      }
      %scan3A_102 = arith.constant 32 : i32
      %mul3A_103 = arith.constant 2 : i32
      %mul3A_104 = arith.muli %mul3A_103, %scan3A_78 : i32
      %add3A_105 = arith.constant 1 : i32
      %add3A_106 = arith.addi %mul3A_104, %add3A_105 : i32
      %dma_wait3A_107 = arith.constant 0 : i32
      %dma_wait3A_108 = tpu.memref_slice %arg9[%dma_wait3A_107] : memref<10240xi32, #tpu.memory_space<vmem>> -> memref<128xi32, #tpu.memory_space<vmem>>
      %dma_wait3A_109 = arith.constant 0 : i32
      %dma_wait3A_110 = arith.constant 0 : i32
      %dma_wait3A_111 = tpu.memref_slice %arg2[%dma_wait3A_109, %dma_wait3A_110] : memref<10000x64xf32, #tpu.memory_space<hbm>> -> memref<10000x64xf32, #tpu.memory_space<hbm>>
      tpu.wait_indirect_dma semaphore(%arg19 : memref<!tpu.dma_semaphore, #tpu.memory_space<semaphore_mem>>) src(%dma_wait3A_111 : memref<10000x64xf32, #tpu.memory_space<hbm>>) dst(%arg15 : memref<128x64xf32, #tpu.memory_space<vmem>>)
      %dma_wait3A_112 = arith.constant 0 : i32
      %dma_wait3A_113 = tpu.memref_slice %arg10[%dma_wait3A_112] : memref<10240xi32, #tpu.memory_space<vmem>> -> memref<128xi32, #tpu.memory_space<vmem>>
      %dma_wait3A_114 = arith.constant 0 : i32
      %dma_wait3A_115 = arith.constant 0 : i32
      %dma_wait3A_116 = tpu.memref_slice %arg2[%dma_wait3A_114, %dma_wait3A_115] : memref<10000x64xf32, #tpu.memory_space<hbm>> -> memref<10000x64xf32, #tpu.memory_space<hbm>>
      tpu.wait_indirect_dma semaphore(%arg21 : memref<!tpu.dma_semaphore, #tpu.memory_space<semaphore_mem>>) src(%dma_wait3A_116 : memref<10000x64xf32, #tpu.memory_space<hbm>>) dst(%arg16 : memref<128x64xf32, #tpu.memory_space<vmem>>)
      %add3A_117 = arith.constant 2 : i32
      %add3A_118 = arith.addi %add3A_106, %add3A_117 : i32
      %lt3A_119 = arith.constant 80 : i32
      %lt3A_120 = arith.cmpi slt, %add3A_118, %lt3A_119 : i32
      %convert_element_type3A_121 = arith.extui %lt3A_120 : i1 to i32
      %cond3A_122 = arith.constant 0 : i32
      %cond3A_123 = arith.cmpi ne, %convert_element_type3A_121, %cond3A_122 : i32
      scf.if %cond3A_123 {
        %add3A_130 = arith.constant 2 : i32
        %add3A_131 = arith.addi %add3A_106, %add3A_130 : i32
        %mul3A_132 = arith.constant 128 : i32
        %mul3A_133 = arith.muli %add3A_131, %mul3A_132 : i32
        %dma_start3A_134 = tpu.memref_slice %arg9[%mul3A_133] : memref<10240xi32, #tpu.memory_space<vmem>> -> memref<128xi32, #tpu.memory_space<vmem>>
        %dma_start3A_135 = arith.constant 0 : i32
        %dma_start3A_136 = arith.constant 0 : i32
        %dma_start3A_137 = tpu.memref_slice %arg2[%dma_start3A_135, %dma_start3A_136] : memref<10000x64xf32, #tpu.memory_space<hbm>> -> memref<10000x64xf32, #tpu.memory_space<hbm>>
        tpu.enqueue_indirect_dma source(%dma_start3A_137 : memref<10000x64xf32, #tpu.memory_space<hbm>>) target(%arg15 : memref<128x64xf32, #tpu.memory_space<vmem>>) offsets(%dma_start3A_134 : memref<128xi32, #tpu.memory_space<vmem>>) semaphore(%arg19 : memref<!tpu.dma_semaphore, #tpu.memory_space<semaphore_mem>>)
        %mul3A_138 = arith.constant 128 : i32
        %mul3A_139 = arith.muli %add3A_131, %mul3A_138 : i32
        %dma_start3A_140 = tpu.memref_slice %arg10[%mul3A_139] : memref<10240xi32, #tpu.memory_space<vmem>> -> memref<128xi32, #tpu.memory_space<vmem>>
        %dma_start3A_141 = arith.constant 0 : i32
        %dma_start3A_142 = arith.constant 0 : i32
        %dma_start3A_143 = tpu.memref_slice %arg2[%dma_start3A_141, %dma_start3A_142] : memref<10000x64xf32, #tpu.memory_space<hbm>> -> memref<10000x64xf32, #tpu.memory_space<hbm>>
        tpu.enqueue_indirect_dma source(%dma_start3A_143 : memref<10000x64xf32, #tpu.memory_space<hbm>>) target(%arg16 : memref<128x64xf32, #tpu.memory_space<vmem>>) offsets(%dma_start3A_140 : memref<128xi32, #tpu.memory_space<vmem>>) semaphore(%arg21 : memref<!tpu.dma_semaphore, #tpu.memory_space<semaphore_mem>>)
      } else {
      }
      %scan3A_124 = arith.constant 0 : i32
      %scan3A_125 = arith.constant 32 : i32
      %scan3A_126 = arith.addi %scan3A_124, %scan3A_125 : i32
      %scan3A_127 = arith.constant 1 : i32
      %scan3A_128 = scf.for %scan3A_130 = %scan3A_124 to %scan3A_126 step %scan3A_127 iter_args(%scan3A_131 = %scan3A_101) -> (f32)  : i32 {
        %mul3A_132 = arith.constant 4 : i32
        %mul3A_133 = arith.muli %mul3A_132, %scan3A_130 : i32
        %get3A = arith.index_cast %mul3A_133 : i32 to index
        %get3A_134 = arith.constant 0 : index
        %get3A_135 = tpu.vector_load %arg15[%get3A, %get3A_134] {strides = array<i32>} : memref<128x64xf32, #tpu.memory_space<vmem>>, vector<16xf32>,
        %bitcast3A = vector.bitcast %get3A_135 : vector<16xf32> to vector<32xbf16>
        %get3A_136 = arith.index_cast %mul3A_133 : i32 to index
        %get3A_137 = arith.constant 0 : index
        %get3A_138 = tpu.vector_load %arg16[%get3A_136, %get3A_137] {strides = array<i32>} : memref<128x64xf32, #tpu.memory_space<vmem>>, vector<16xf32>,
        %bitcast3A_139 = vector.bitcast %get3A_138 : vector<16xf32> to vector<32xbf16>
        %mul3A_140 = arith.mulf %bitcast3A, %bitcast3A_139 : vector<32xbf16>
        %get3A_141 = arith.index_cast %mul3A_133 : i32 to index
        %get3A_142 = arith.constant 16 : index
        %get3A_143 = tpu.vector_load %arg15[%get3A_141, %get3A_142] {strides = array<i32>} : memref<128x64xf32, #tpu.memory_space<vmem>>, vector<16xf32>,
        %bitcast3A_144 = vector.bitcast %get3A_143 : vector<16xf32> to vector<32xbf16>
        %get3A_145 = arith.index_cast %mul3A_133 : i32 to index
        %get3A_146 = arith.constant 16 : index
        %get3A_147 = tpu.vector_load %arg16[%get3A_145, %get3A_146] {strides = array<i32>} : memref<128x64xf32, #tpu.memory_space<vmem>>, vector<16xf32>,
        %bitcast3A_148 = vector.bitcast %get3A_147 : vector<16xf32> to vector<32xbf16>
        %mul3A_149 = arith.mulf %bitcast3A_144, %bitcast3A_148 : vector<32xbf16>
        %add3A_150 = arith.addf %mul3A_140, %mul3A_149 : vector<32xbf16>
        %get3A_151 = arith.index_cast %mul3A_133 : i32 to index
        %get3A_152 = arith.constant 32 : index
        %get3A_153 = tpu.vector_load %arg15[%get3A_151, %get3A_152] {strides = array<i32>} : memref<128x64xf32, #tpu.memory_space<vmem>>, vector<16xf32>,
        %bitcast3A_154 = vector.bitcast %get3A_153 : vector<16xf32> to vector<32xbf16>
        %get3A_155 = arith.index_cast %mul3A_133 : i32 to index
        %get3A_156 = arith.constant 32 : index
        %get3A_157 = tpu.vector_load %arg16[%get3A_155, %get3A_156] {strides = array<i32>} : memref<128x64xf32, #tpu.memory_space<vmem>>, vector<16xf32>,
        %bitcast3A_158 = vector.bitcast %get3A_157 : vector<16xf32> to vector<32xbf16>
        %mul3A_159 = arith.mulf %bitcast3A_154, %bitcast3A_158 : vector<32xbf16>
        %add3A_160 = arith.addf %add3A_150, %mul3A_159 : vector<32xbf16>
        %get3A_161 = arith.index_cast %mul3A_133 : i32 to index
        %get3A_162 = arith.constant 48 : index
        %get3A_163 = tpu.vector_load %arg15[%get3A_161, %get3A_162] {strides = array<i32>} : memref<128x64xf32, #tpu.memory_space<vmem>>, vector<16xf32>,
        %bitcast3A_164 = vector.bitcast %get3A_163 : vector<16xf32> to vector<32xbf16>
        %get3A_165 = arith.index_cast %mul3A_133 : i32 to index
        %get3A_166 = arith.constant 48 : index
        %get3A_167 = tpu.vector_load %arg16[%get3A_165, %get3A_166] {strides = array<i32>} : memref<128x64xf32, #tpu.memory_space<vmem>>, vector<16xf32>,
        %bitcast3A_168 = vector.bitcast %get3A_167 : vector<16xf32> to vector<32xbf16>
        %mul3A_169 = arith.mulf %bitcast3A_164, %bitcast3A_168 : vector<32xbf16>
        %add3A_170 = arith.addf %add3A_160, %mul3A_169 : vector<32xbf16>
        %unpack3A = tpu.unpack_subelements %add3A_170, 0 {pack_format = #tpu.pack_format<interleaved>} : vector<32xbf16> -> vector<16xf32>
        %unpack3A_171 = tpu.unpack_subelements %add3A_170, 1 {pack_format = #tpu.pack_format<interleaved>} : vector<32xbf16> -> vector<16xf32>
        %add3A_172 = arith.addf %unpack3A, %unpack3A_171 : vector<16xf32>
        %reduce_sum3A = arith.constant true
        %reduce_sum3A_173 = vector.broadcast %reduce_sum3A : i1 to vector<16xi1>
        %reduce_sum3A_174 = tpu.scan <sum>, %add3A_172 masked %reduce_sum3A_173 : vector<16xf32>, vector<16xi1> -> vector<16xf32>
        %reduce_sum3A_175 = vector.extract %reduce_sum3A_174[15] : f32 from vector<16xf32>
        %sub3A = arith.constant 1.000000e+00 : f32
        %sub3A_176 = arith.subf %reduce_sum3A_175, %sub3A : f32
        %mul3A_177 = arith.mulf %sub3A_176, %sub3A_176 : f32
        %add3A_178 = arith.addf %scan3A_131, %mul3A_177 : f32
        %mul3A_179 = arith.constant 4 : i32
        %mul3A_180 = arith.muli %mul3A_179, %scan3A_130 : i32
        %add3A_181 = arith.constant 1 : i32
        %add3A_182 = arith.addi %mul3A_180, %add3A_181 : i32
        %get3A_183 = arith.index_cast %add3A_182 : i32 to index
        %get3A_184 = arith.constant 0 : index
        %get3A_185 = tpu.vector_load %arg15[%get3A_183, %get3A_184] {strides = array<i32>} : memref<128x64xf32, #tpu.memory_space<vmem>>, vector<16xf32>,
        %bitcast3A_186 = vector.bitcast %get3A_185 : vector<16xf32> to vector<32xbf16>
        %get3A_187 = arith.index_cast %add3A_182 : i32 to index
        %get3A_188 = arith.constant 0 : index
        %get3A_189 = tpu.vector_load %arg16[%get3A_187, %get3A_188] {strides = array<i32>} : memref<128x64xf32, #tpu.memory_space<vmem>>, vector<16xf32>,
        %bitcast3A_190 = vector.bitcast %get3A_189 : vector<16xf32> to vector<32xbf16>
        %mul3A_191 = arith.mulf %bitcast3A_186, %bitcast3A_190 : vector<32xbf16>
        %get3A_192 = arith.index_cast %add3A_182 : i32 to index
        %get3A_193 = arith.constant 16 : index
        %get3A_194 = tpu.vector_load %arg15[%get3A_192, %get3A_193] {strides = array<i32>} : memref<128x64xf32, #tpu.memory_space<vmem>>, vector<16xf32>,
        %bitcast3A_195 = vector.bitcast %get3A_194 : vector<16xf32> to vector<32xbf16>
        %get3A_196 = arith.index_cast %add3A_182 : i32 to index
        %get3A_197 = arith.constant 16 : index
        %get3A_198 = tpu.vector_load %arg16[%get3A_196, %get3A_197] {strides = array<i32>} : memref<128x64xf32, #tpu.memory_space<vmem>>, vector<16xf32>,
        %bitcast3A_199 = vector.bitcast %get3A_198 : vector<16xf32> to vector<32xbf16>
        %mul3A_200 = arith.mulf %bitcast3A_195, %bitcast3A_199 : vector<32xbf16>
        %add3A_201 = arith.addf %mul3A_191, %mul3A_200 : vector<32xbf16>
        %get3A_202 = arith.index_cast %add3A_182 : i32 to index
        %get3A_203 = arith.constant 32 : index
        %get3A_204 = tpu.vector_load %arg15[%get3A_202, %get3A_203] {strides = array<i32>} : memref<128x64xf32, #tpu.memory_space<vmem>>, vector<16xf32>,
        %bitcast3A_205 = vector.bitcast %get3A_204 : vector<16xf32> to vector<32xbf16>
        %get3A_206 = arith.index_cast %add3A_182 : i32 to index
        %get3A_207 = arith.constant 32 : index
        %get3A_208 = tpu.vector_load %arg16[%get3A_206, %get3A_207] {strides = array<i32>} : memref<128x64xf32, #tpu.memory_space<vmem>>, vector<16xf32>,
        %bitcast3A_209 = vector.bitcast %get3A_208 : vector<16xf32> to vector<32xbf16>
        %mul3A_210 = arith.mulf %bitcast3A_205, %bitcast3A_209 : vector<32xbf16>
        %add3A_211 = arith.addf %add3A_201, %mul3A_210 : vector<32xbf16>
        %get3A_212 = arith.index_cast %add3A_182 : i32 to index
        %get3A_213 = arith.constant 48 : index
        %get3A_214 = tpu.vector_load %arg15[%get3A_212, %get3A_213] {strides = array<i32>} : memref<128x64xf32, #tpu.memory_space<vmem>>, vector<16xf32>,
        %bitcast3A_215 = vector.bitcast %get3A_214 : vector<16xf32> to vector<32xbf16>
        %get3A_216 = arith.index_cast %add3A_182 : i32 to index
        %get3A_217 = arith.constant 48 : index
        %get3A_218 = tpu.vector_load %arg16[%get3A_216, %get3A_217] {strides = array<i32>} : memref<128x64xf32, #tpu.memory_space<vmem>>, vector<16xf32>,
        %bitcast3A_219 = vector.bitcast %get3A_218 : vector<16xf32> to vector<32xbf16>
        %mul3A_220 = arith.mulf %bitcast3A_215, %bitcast3A_219 : vector<32xbf16>
        %add3A_221 = arith.addf %add3A_211, %mul3A_220 : vector<32xbf16>
        %unpack3A_222 = tpu.unpack_subelements %add3A_221, 0 {pack_format = #tpu.pack_format<interleaved>} : vector<32xbf16> -> vector<16xf32>
        %unpack3A_223 = tpu.unpack_subelements %add3A_221, 1 {pack_format = #tpu.pack_format<interleaved>} : vector<32xbf16> -> vector<16xf32>
        %add3A_224 = arith.addf %unpack3A_222, %unpack3A_223 : vector<16xf32>
        %reduce_sum3A_225 = arith.constant true
        %reduce_sum3A_226 = vector.broadcast %reduce_sum3A_225 : i1 to vector<16xi1>
        %reduce_sum3A_227 = tpu.scan <sum>, %add3A_224 masked %reduce_sum3A_226 : vector<16xf32>, vector<16xi1> -> vector<16xf32>
        %reduce_sum3A_228 = vector.extract %reduce_sum3A_227[15] : f32 from vector<16xf32>
        %sub3A_229 = arith.constant 1.000000e+00 : f32
        %sub3A_230 = arith.subf %reduce_sum3A_228, %sub3A_229 : f32
        %mul3A_231 = arith.mulf %sub3A_230, %sub3A_230 : f32
        %add3A_232 = arith.addf %add3A_178, %mul3A_231 : f32
        %mul3A_233 = arith.constant 4 : i32
        %mul3A_234 = arith.muli %mul3A_233, %scan3A_130 : i32
        %add3A_235 = arith.constant 2 : i32
        %add3A_236 = arith.addi %mul3A_234, %add3A_235 : i32
        %get3A_237 = arith.index_cast %add3A_236 : i32 to index
        %get3A_238 = arith.constant 0 : index
        %get3A_239 = tpu.vector_load %arg15[%get3A_237, %get3A_238] {strides = array<i32>} : memref<128x64xf32, #tpu.memory_space<vmem>>, vector<16xf32>,
        %bitcast3A_240 = vector.bitcast %get3A_239 : vector<16xf32> to vector<32xbf16>
        %get3A_241 = arith.index_cast %add3A_236 : i32 to index
        %get3A_242 = arith.constant 0 : index
        %get3A_243 = tpu.vector_load %arg16[%get3A_241, %get3A_242] {strides = array<i32>} : memref<128x64xf32, #tpu.memory_space<vmem>>, vector<16xf32>,
        %bitcast3A_244 = vector.bitcast %get3A_243 : vector<16xf32> to vector<32xbf16>
        %mul3A_245 = arith.mulf %bitcast3A_240, %bitcast3A_244 : vector<32xbf16>
        %get3A_246 = arith.index_cast %add3A_236 : i32 to index
        %get3A_247 = arith.constant 16 : index
        %get3A_248 = tpu.vector_load %arg15[%get3A_246, %get3A_247] {strides = array<i32>} : memref<128x64xf32, #tpu.memory_space<vmem>>, vector<16xf32>,
        %bitcast3A_249 = vector.bitcast %get3A_248 : vector<16xf32> to vector<32xbf16>
        %get3A_250 = arith.index_cast %add3A_236 : i32 to index
        %get3A_251 = arith.constant 16 : index
        %get3A_252 = tpu.vector_load %arg16[%get3A_250, %get3A_251] {strides = array<i32>} : memref<128x64xf32, #tpu.memory_space<vmem>>, vector<16xf32>,
        %bitcast3A_253 = vector.bitcast %get3A_252 : vector<16xf32> to vector<32xbf16>
        %mul3A_254 = arith.mulf %bitcast3A_249, %bitcast3A_253 : vector<32xbf16>
        %add3A_255 = arith.addf %mul3A_245, %mul3A_254 : vector<32xbf16>
        %get3A_256 = arith.index_cast %add3A_236 : i32 to index
        %get3A_257 = arith.constant 32 : index
        %get3A_258 = tpu.vector_load %arg15[%get3A_256, %get3A_257] {strides = array<i32>} : memref<128x64xf32, #tpu.memory_space<vmem>>, vector<16xf32>,
        %bitcast3A_259 = vector.bitcast %get3A_258 : vector<16xf32> to vector<32xbf16>
        %get3A_260 = arith.index_cast %add3A_236 : i32 to index
        %get3A_261 = arith.constant 32 : index
        %get3A_262 = tpu.vector_load %arg16[%get3A_260, %get3A_261] {strides = array<i32>} : memref<128x64xf32, #tpu.memory_space<vmem>>, vector<16xf32>,
        %bitcast3A_263 = vector.bitcast %get3A_262 : vector<16xf32> to vector<32xbf16>
        %mul3A_264 = arith.mulf %bitcast3A_259, %bitcast3A_263 : vector<32xbf16>
        %add3A_265 = arith.addf %add3A_255, %mul3A_264 : vector<32xbf16>
        %get3A_266 = arith.index_cast %add3A_236 : i32 to index
        %get3A_267 = arith.constant 48 : index
        %get3A_268 = tpu.vector_load %arg15[%get3A_266, %get3A_267] {strides = array<i32>} : memref<128x64xf32, #tpu.memory_space<vmem>>, vector<16xf32>,
        %bitcast3A_269 = vector.bitcast %get3A_268 : vector<16xf32> to vector<32xbf16>
        %get3A_270 = arith.index_cast %add3A_236 : i32 to index
        %get3A_271 = arith.constant 48 : index
        %get3A_272 = tpu.vector_load %arg16[%get3A_270, %get3A_271] {strides = array<i32>} : memref<128x64xf32, #tpu.memory_space<vmem>>, vector<16xf32>,
        %bitcast3A_273 = vector.bitcast %get3A_272 : vector<16xf32> to vector<32xbf16>
        %mul3A_274 = arith.mulf %bitcast3A_269, %bitcast3A_273 : vector<32xbf16>
        %add3A_275 = arith.addf %add3A_265, %mul3A_274 : vector<32xbf16>
        %unpack3A_276 = tpu.unpack_subelements %add3A_275, 0 {pack_format = #tpu.pack_format<interleaved>} : vector<32xbf16> -> vector<16xf32>
        %unpack3A_277 = tpu.unpack_subelements %add3A_275, 1 {pack_format = #tpu.pack_format<interleaved>} : vector<32xbf16> -> vector<16xf32>
        %add3A_278 = arith.addf %unpack3A_276, %unpack3A_277 : vector<16xf32>
        %reduce_sum3A_279 = arith.constant true
        %reduce_sum3A_280 = vector.broadcast %reduce_sum3A_279 : i1 to vector<16xi1>
        %reduce_sum3A_281 = tpu.scan <sum>, %add3A_278 masked %reduce_sum3A_280 : vector<16xf32>, vector<16xi1> -> vector<16xf32>
        %reduce_sum3A_282 = vector.extract %reduce_sum3A_281[15] : f32 from vector<16xf32>
        %sub3A_283 = arith.constant 1.000000e+00 : f32
        %sub3A_284 = arith.subf %reduce_sum3A_282, %sub3A_283 : f32
        %mul3A_285 = arith.mulf %sub3A_284, %sub3A_284 : f32
        %add3A_286 = arith.addf %add3A_232, %mul3A_285 : f32
        %mul3A_287 = arith.constant 4 : i32
        %mul3A_288 = arith.muli %mul3A_287, %scan3A_130 : i32
        %add3A_289 = arith.constant 3 : i32
        %add3A_290 = arith.addi %mul3A_288, %add3A_289 : i32
        %get3A_291 = arith.index_cast %add3A_290 : i32 to index
        %get3A_292 = arith.constant 0 : index
        %get3A_293 = tpu.vector_load %arg15[%get3A_291, %get3A_292] {strides = array<i32>} : memref<128x64xf32, #tpu.memory_space<vmem>>, vector<16xf32>,
        %bitcast3A_294 = vector.bitcast %get3A_293 : vector<16xf32> to vector<32xbf16>
        %get3A_295 = arith.index_cast %add3A_290 : i32 to index
        %get3A_296 = arith.constant 0 : index
        %get3A_297 = tpu.vector_load %arg16[%get3A_295, %get3A_296] {strides = array<i32>} : memref<128x64xf32, #tpu.memory_space<vmem>>, vector<16xf32>,
        %bitcast3A_298 = vector.bitcast %get3A_297 : vector<16xf32> to vector<32xbf16>
        %mul3A_299 = arith.mulf %bitcast3A_294, %bitcast3A_298 : vector<32xbf16>
        %get3A_300 = arith.index_cast %add3A_290 : i32 to index
        %get3A_301 = arith.constant 16 : index
        %get3A_302 = tpu.vector_load %arg15[%get3A_300, %get3A_301] {strides = array<i32>} : memref<128x64xf32, #tpu.memory_space<vmem>>, vector<16xf32>,
        %bitcast3A_303 = vector.bitcast %get3A_302 : vector<16xf32> to vector<32xbf16>
        %get3A_304 = arith.index_cast %add3A_290 : i32 to index
        %get3A_305 = arith.constant 16 : index
        %get3A_306 = tpu.vector_load %arg16[%get3A_304, %get3A_305] {strides = array<i32>} : memref<128x64xf32, #tpu.memory_space<vmem>>, vector<16xf32>,
        %bitcast3A_307 = vector.bitcast %get3A_306 : vector<16xf32> to vector<32xbf16>
        %mul3A_308 = arith.mulf %bitcast3A_303, %bitcast3A_307 : vector<32xbf16>
        %add3A_309 = arith.addf %mul3A_299, %mul3A_308 : vector<32xbf16>
        %get3A_310 = arith.index_cast %add3A_290 : i32 to index
        %get3A_311 = arith.constant 32 : index
        %get3A_312 = tpu.vector_load %arg15[%get3A_310, %get3A_311] {strides = array<i32>} : memref<128x64xf32, #tpu.memory_space<vmem>>, vector<16xf32>,
        %bitcast3A_313 = vector.bitcast %get3A_312 : vector<16xf32> to vector<32xbf16>
        %get3A_314 = arith.index_cast %add3A_290 : i32 to index
        %get3A_315 = arith.constant 32 : index
        %get3A_316 = tpu.vector_load %arg16[%get3A_314, %get3A_315] {strides = array<i32>} : memref<128x64xf32, #tpu.memory_space<vmem>>, vector<16xf32>,
        %bitcast3A_317 = vector.bitcast %get3A_316 : vector<16xf32> to vector<32xbf16>
        %mul3A_318 = arith.mulf %bitcast3A_313, %bitcast3A_317 : vector<32xbf16>
        %add3A_319 = arith.addf %add3A_309, %mul3A_318 : vector<32xbf16>
        %get3A_320 = arith.index_cast %add3A_290 : i32 to index
        %get3A_321 = arith.constant 48 : index
        %get3A_322 = tpu.vector_load %arg15[%get3A_320, %get3A_321] {strides = array<i32>} : memref<128x64xf32, #tpu.memory_space<vmem>>, vector<16xf32>,
        %bitcast3A_323 = vector.bitcast %get3A_322 : vector<16xf32> to vector<32xbf16>
        %get3A_324 = arith.index_cast %add3A_290 : i32 to index
        %get3A_325 = arith.constant 48 : index
        %get3A_326 = tpu.vector_load %arg16[%get3A_324, %get3A_325] {strides = array<i32>} : memref<128x64xf32, #tpu.memory_space<vmem>>, vector<16xf32>,
        %bitcast3A_327 = vector.bitcast %get3A_326 : vector<16xf32> to vector<32xbf16>
        %mul3A_328 = arith.mulf %bitcast3A_323, %bitcast3A_327 : vector<32xbf16>
        %add3A_329 = arith.addf %add3A_319, %mul3A_328 : vector<32xbf16>
        %unpack3A_330 = tpu.unpack_subelements %add3A_329, 0 {pack_format = #tpu.pack_format<interleaved>} : vector<32xbf16> -> vector<16xf32>
        %unpack3A_331 = tpu.unpack_subelements %add3A_329, 1 {pack_format = #tpu.pack_format<interleaved>} : vector<32xbf16> -> vector<16xf32>
        %add3A_332 = arith.addf %unpack3A_330, %unpack3A_331 : vector<16xf32>
        %reduce_sum3A_333 = arith.constant true
        %reduce_sum3A_334 = vector.broadcast %reduce_sum3A_333 : i1 to vector<16xi1>
        %reduce_sum3A_335 = tpu.scan <sum>, %add3A_332 masked %reduce_sum3A_334 : vector<16xf32>, vector<16xi1> -> vector<16xf32>
        %reduce_sum3A_336 = vector.extract %reduce_sum3A_335[15] : f32 from vector<16xf32>
        %sub3A_337 = arith.constant 1.000000e+00 : f32
        %sub3A_338 = arith.subf %reduce_sum3A_336, %sub3A_337 : f32
        %mul3A_339 = arith.mulf %sub3A_338, %sub3A_338 : f32
        %add3A_340 = arith.addf %add3A_286, %mul3A_339 : f32
        scf.yield %add3A_340 : f32
      }
      %scan3A_129 = arith.constant 32 : i32
      scf.yield %scan3A_128 : f32
    }
    %scan3A_33 = arith.constant 40 : i32
    %dma_start3A_34 = arith.constant 0 : i32
    %dma_start3A_35 = tpu.memref_slice %arg11[%dma_start3A_34] : memref<3328xi32, #tpu.memory_space<vmem>> -> memref<128xi32, #tpu.memory_space<vmem>>
    %dma_start3A_36 = arith.constant 0 : i32
    %dma_start3A_37 = arith.constant 0 : i32
    %dma_start3A_38 = tpu.memref_slice %arg3[%dma_start3A_36, %dma_start3A_37] : memref<2176x64xf32, #tpu.memory_space<hbm>> -> memref<2176x64xf32, #tpu.memory_space<hbm>>
    tpu.enqueue_indirect_dma source(%dma_start3A_38 : memref<2176x64xf32, #tpu.memory_space<hbm>>) target(%arg13 : memref<128x64xf32, #tpu.memory_space<vmem>>) offsets(%dma_start3A_35 : memref<128xi32, #tpu.memory_space<vmem>>) semaphore(%arg18 : memref<!tpu.dma_semaphore, #tpu.memory_space<semaphore_mem>>)
    %dma_start3A_39 = arith.constant 0 : i32
    %dma_start3A_40 = tpu.memref_slice %arg12[%dma_start3A_39] : memref<3328xi32, #tpu.memory_space<vmem>> -> memref<128xi32, #tpu.memory_space<vmem>>
    %dma_start3A_41 = arith.constant 0 : i32
    %dma_start3A_42 = arith.constant 0 : i32
    %dma_start3A_43 = tpu.memref_slice %arg2[%dma_start3A_41, %dma_start3A_42] : memref<10000x64xf32, #tpu.memory_space<hbm>> -> memref<10000x64xf32, #tpu.memory_space<hbm>>
    tpu.enqueue_indirect_dma source(%dma_start3A_43 : memref<10000x64xf32, #tpu.memory_space<hbm>>) target(%arg14 : memref<128x64xf32, #tpu.memory_space<vmem>>) offsets(%dma_start3A_40 : memref<128xi32, #tpu.memory_space<vmem>>) semaphore(%arg20 : memref<!tpu.dma_semaphore, #tpu.memory_space<semaphore_mem>>)
    %dma_start3A_44 = arith.constant 128 : i32
    %dma_start3A_45 = tpu.memref_slice %arg11[%dma_start3A_44] : memref<3328xi32, #tpu.memory_space<vmem>> -> memref<128xi32, #tpu.memory_space<vmem>>
    %dma_start3A_46 = arith.constant 0 : i32
    %dma_start3A_47 = arith.constant 0 : i32
    %dma_start3A_48 = tpu.memref_slice %arg3[%dma_start3A_46, %dma_start3A_47] : memref<2176x64xf32, #tpu.memory_space<hbm>> -> memref<2176x64xf32, #tpu.memory_space<hbm>>
    tpu.enqueue_indirect_dma source(%dma_start3A_48 : memref<2176x64xf32, #tpu.memory_space<hbm>>) target(%arg15 : memref<128x64xf32, #tpu.memory_space<vmem>>) offsets(%dma_start3A_45 : memref<128xi32, #tpu.memory_space<vmem>>) semaphore(%arg19 : memref<!tpu.dma_semaphore, #tpu.memory_space<semaphore_mem>>)
    %dma_start3A_49 = arith.constant 128 : i32
    %dma_start3A_50 = tpu.memref_slice %arg12[%dma_start3A_49] : memref<3328xi32, #tpu.memory_space<vmem>> -> memref<128xi32, #tpu.memory_space<vmem>>
    %dma_start3A_51 = arith.constant 0 : i32
    %dma_start3A_52 = arith.constant 0 : i32
    %dma_start3A_53 = tpu.memref_slice %arg2[%dma_start3A_51, %dma_start3A_52] : memref<10000x64xf32, #tpu.memory_space<hbm>> -> memref<10000x64xf32, #tpu.memory_space<hbm>>
    tpu.enqueue_indirect_dma source(%dma_start3A_53 : memref<10000x64xf32, #tpu.memory_space<hbm>>) target(%arg16 : memref<128x64xf32, #tpu.memory_space<vmem>>) offsets(%dma_start3A_50 : memref<128xi32, #tpu.memory_space<vmem>>) semaphore(%arg21 : memref<!tpu.dma_semaphore, #tpu.memory_space<semaphore_mem>>)
    %scan3A_54 = arith.constant 0.000000e+00 : f32
    %scan3A_55 = arith.constant 0 : i32
    %scan3A_56 = arith.constant 13 : i32
    %scan3A_57 = arith.addi %scan3A_55, %scan3A_56 : i32
    %scan3A_58 = arith.constant 1 : i32
    %scan3A_59 = scf.for %scan3A_78 = %scan3A_55 to %scan3A_57 step %scan3A_58 iter_args(%scan3A_79 = %scan3A_54) -> (f32)  : i32 {
      %mul3A_80 = arith.constant 2 : i32
      %mul3A_81 = arith.muli %mul3A_80, %scan3A_78 : i32
      %add3A_82 = arith.constant 0 : i32
      %add3A_83 = arith.addi %mul3A_81, %add3A_82 : i32
      %dma_wait3A = arith.constant 0 : i32
      %dma_wait3A_84 = tpu.memref_slice %arg11[%dma_wait3A] : memref<3328xi32, #tpu.memory_space<vmem>> -> memref<128xi32, #tpu.memory_space<vmem>>
      %dma_wait3A_85 = arith.constant 0 : i32
      %dma_wait3A_86 = arith.constant 0 : i32
      %dma_wait3A_87 = tpu.memref_slice %arg3[%dma_wait3A_85, %dma_wait3A_86] : memref<2176x64xf32, #tpu.memory_space<hbm>> -> memref<2176x64xf32, #tpu.memory_space<hbm>>
      tpu.wait_indirect_dma semaphore(%arg18 : memref<!tpu.dma_semaphore, #tpu.memory_space<semaphore_mem>>) src(%dma_wait3A_87 : memref<2176x64xf32, #tpu.memory_space<hbm>>) dst(%arg13 : memref<128x64xf32, #tpu.memory_space<vmem>>)
      %dma_wait3A_88 = arith.constant 0 : i32
      %dma_wait3A_89 = tpu.memref_slice %arg12[%dma_wait3A_88] : memref<3328xi32, #tpu.memory_space<vmem>> -> memref<128xi32, #tpu.memory_space<vmem>>
      %dma_wait3A_90 = arith.constant 0 : i32
      %dma_wait3A_91 = arith.constant 0 : i32
      %dma_wait3A_92 = tpu.memref_slice %arg2[%dma_wait3A_90, %dma_wait3A_91] : memref<10000x64xf32, #tpu.memory_space<hbm>> -> memref<10000x64xf32, #tpu.memory_space<hbm>>
      tpu.wait_indirect_dma semaphore(%arg20 : memref<!tpu.dma_semaphore, #tpu.memory_space<semaphore_mem>>) src(%dma_wait3A_92 : memref<10000x64xf32, #tpu.memory_space<hbm>>) dst(%arg14 : memref<128x64xf32, #tpu.memory_space<vmem>>)
      %add3A_93 = arith.constant 2 : i32
      %add3A_94 = arith.addi %add3A_83, %add3A_93 : i32
      %lt3A = arith.constant 26 : i32
      %lt3A_95 = arith.cmpi slt, %add3A_94, %lt3A : i32
      %convert_element_type3A = arith.extui %lt3A_95 : i1 to i32
      %cond3A = arith.constant 0 : i32
      %cond3A_96 = arith.cmpi ne, %convert_element_type3A, %cond3A : i32
      scf.if %cond3A_96 {
        %add3A_130 = arith.constant 2 : i32
        %add3A_131 = arith.addi %add3A_83, %add3A_130 : i32
        %mul3A_132 = arith.constant 128 : i32
        %mul3A_133 = arith.muli %add3A_131, %mul3A_132 : i32
        %dma_start3A_134 = tpu.memref_slice %arg11[%mul3A_133] : memref<3328xi32, #tpu.memory_space<vmem>> -> memref<128xi32, #tpu.memory_space<vmem>>
        %dma_start3A_135 = arith.constant 0 : i32
        %dma_start3A_136 = arith.constant 0 : i32
        %dma_start3A_137 = tpu.memref_slice %arg3[%dma_start3A_135, %dma_start3A_136] : memref<2176x64xf32, #tpu.memory_space<hbm>> -> memref<2176x64xf32, #tpu.memory_space<hbm>>
        tpu.enqueue_indirect_dma source(%dma_start3A_137 : memref<2176x64xf32, #tpu.memory_space<hbm>>) target(%arg13 : memref<128x64xf32, #tpu.memory_space<vmem>>) offsets(%dma_start3A_134 : memref<128xi32, #tpu.memory_space<vmem>>) semaphore(%arg18 : memref<!tpu.dma_semaphore, #tpu.memory_space<semaphore_mem>>)
        %mul3A_138 = arith.constant 128 : i32
        %mul3A_139 = arith.muli %add3A_131, %mul3A_138 : i32
        %dma_start3A_140 = tpu.memref_slice %arg12[%mul3A_139] : memref<3328xi32, #tpu.memory_space<vmem>> -> memref<128xi32, #tpu.memory_space<vmem>>
        %dma_start3A_141 = arith.constant 0 : i32
        %dma_start3A_142 = arith.constant 0 : i32
        %dma_start3A_143 = tpu.memref_slice %arg2[%dma_start3A_141, %dma_start3A_142] : memref<10000x64xf32, #tpu.memory_space<hbm>> -> memref<10000x64xf32, #tpu.memory_space<hbm>>
        tpu.enqueue_indirect_dma source(%dma_start3A_143 : memref<10000x64xf32, #tpu.memory_space<hbm>>) target(%arg14 : memref<128x64xf32, #tpu.memory_space<vmem>>) offsets(%dma_start3A_140 : memref<128xi32, #tpu.memory_space<vmem>>) semaphore(%arg20 : memref<!tpu.dma_semaphore, #tpu.memory_space<semaphore_mem>>)
      } else {
      }
      %scan3A_97 = arith.constant 0 : i32
      %scan3A_98 = arith.constant 32 : i32
      %scan3A_99 = arith.addi %scan3A_97, %scan3A_98 : i32
      %scan3A_100 = arith.constant 1 : i32
      %scan3A_101 = scf.for %scan3A_130 = %scan3A_97 to %scan3A_99 step %scan3A_100 iter_args(%scan3A_131 = %scan3A_79) -> (f32)  : i32 {
        %mul3A_132 = arith.constant 4 : i32
        %mul3A_133 = arith.muli %mul3A_132, %scan3A_130 : i32
        %get3A = arith.index_cast %mul3A_133 : i32 to index
        %get3A_134 = arith.constant 0 : index
        %get3A_135 = tpu.vector_load %arg13[%get3A, %get3A_134] {strides = array<i32>} : memref<128x64xf32, #tpu.memory_space<vmem>>, vector<16xf32>,
        %bitcast3A = vector.bitcast %get3A_135 : vector<16xf32> to vector<32xbf16>
        %get3A_136 = arith.index_cast %mul3A_133 : i32 to index
        %get3A_137 = arith.constant 0 : index
        %get3A_138 = tpu.vector_load %arg14[%get3A_136, %get3A_137] {strides = array<i32>} : memref<128x64xf32, #tpu.memory_space<vmem>>, vector<16xf32>,
        %bitcast3A_139 = vector.bitcast %get3A_138 : vector<16xf32> to vector<32xbf16>
        %mul3A_140 = arith.mulf %bitcast3A, %bitcast3A_139 : vector<32xbf16>
        %get3A_141 = arith.index_cast %mul3A_133 : i32 to index
        %get3A_142 = arith.constant 16 : index
        %get3A_143 = tpu.vector_load %arg13[%get3A_141, %get3A_142] {strides = array<i32>} : memref<128x64xf32, #tpu.memory_space<vmem>>, vector<16xf32>,
        %bitcast3A_144 = vector.bitcast %get3A_143 : vector<16xf32> to vector<32xbf16>
        %get3A_145 = arith.index_cast %mul3A_133 : i32 to index
        %get3A_146 = arith.constant 16 : index
        %get3A_147 = tpu.vector_load %arg14[%get3A_145, %get3A_146] {strides = array<i32>} : memref<128x64xf32, #tpu.memory_space<vmem>>, vector<16xf32>,
        %bitcast3A_148 = vector.bitcast %get3A_147 : vector<16xf32> to vector<32xbf16>
        %mul3A_149 = arith.mulf %bitcast3A_144, %bitcast3A_148 : vector<32xbf16>
        %add3A_150 = arith.addf %mul3A_140, %mul3A_149 : vector<32xbf16>
        %get3A_151 = arith.index_cast %mul3A_133 : i32 to index
        %get3A_152 = arith.constant 32 : index
        %get3A_153 = tpu.vector_load %arg13[%get3A_151, %get3A_152] {strides = array<i32>} : memref<128x64xf32, #tpu.memory_space<vmem>>, vector<16xf32>,
        %bitcast3A_154 = vector.bitcast %get3A_153 : vector<16xf32> to vector<32xbf16>
        %get3A_155 = arith.index_cast %mul3A_133 : i32 to index
        %get3A_156 = arith.constant 32 : index
        %get3A_157 = tpu.vector_load %arg14[%get3A_155, %get3A_156] {strides = array<i32>} : memref<128x64xf32, #tpu.memory_space<vmem>>, vector<16xf32>,
        %bitcast3A_158 = vector.bitcast %get3A_157 : vector<16xf32> to vector<32xbf16>
        %mul3A_159 = arith.mulf %bitcast3A_154, %bitcast3A_158 : vector<32xbf16>
        %add3A_160 = arith.addf %add3A_150, %mul3A_159 : vector<32xbf16>
        %get3A_161 = arith.index_cast %mul3A_133 : i32 to index
        %get3A_162 = arith.constant 48 : index
        %get3A_163 = tpu.vector_load %arg13[%get3A_161, %get3A_162] {strides = array<i32>} : memref<128x64xf32, #tpu.memory_space<vmem>>, vector<16xf32>,
        %bitcast3A_164 = vector.bitcast %get3A_163 : vector<16xf32> to vector<32xbf16>
        %get3A_165 = arith.index_cast %mul3A_133 : i32 to index
        %get3A_166 = arith.constant 48 : index
        %get3A_167 = tpu.vector_load %arg14[%get3A_165, %get3A_166] {strides = array<i32>} : memref<128x64xf32, #tpu.memory_space<vmem>>, vector<16xf32>,
        %bitcast3A_168 = vector.bitcast %get3A_167 : vector<16xf32> to vector<32xbf16>
        %mul3A_169 = arith.mulf %bitcast3A_164, %bitcast3A_168 : vector<32xbf16>
        %add3A_170 = arith.addf %add3A_160, %mul3A_169 : vector<32xbf16>
        %unpack3A = tpu.unpack_subelements %add3A_170, 0 {pack_format = #tpu.pack_format<interleaved>} : vector<32xbf16> -> vector<16xf32>
        %unpack3A_171 = tpu.unpack_subelements %add3A_170, 1 {pack_format = #tpu.pack_format<interleaved>} : vector<32xbf16> -> vector<16xf32>
        %add3A_172 = arith.addf %unpack3A, %unpack3A_171 : vector<16xf32>
        %reduce_sum3A = arith.constant true
        %reduce_sum3A_173 = vector.broadcast %reduce_sum3A : i1 to vector<16xi1>
        %reduce_sum3A_174 = tpu.scan <sum>, %add3A_172 masked %reduce_sum3A_173 : vector<16xf32>, vector<16xi1> -> vector<16xf32>
        %reduce_sum3A_175 = vector.extract %reduce_sum3A_174[15] : f32 from vector<16xf32>
        %sub3A = arith.constant 1.000000e+00 : f32
        %sub3A_176 = arith.subf %reduce_sum3A_175, %sub3A : f32
        %mul3A_177 = arith.mulf %sub3A_176, %sub3A_176 : f32
        %add3A_178 = arith.addf %scan3A_131, %mul3A_177 : f32
        %mul3A_179 = arith.constant 4 : i32
        %mul3A_180 = arith.muli %mul3A_179, %scan3A_130 : i32
        %add3A_181 = arith.constant 1 : i32
        %add3A_182 = arith.addi %mul3A_180, %add3A_181 : i32
        %get3A_183 = arith.index_cast %add3A_182 : i32 to index
        %get3A_184 = arith.constant 0 : index
        %get3A_185 = tpu.vector_load %arg13[%get3A_183, %get3A_184] {strides = array<i32>} : memref<128x64xf32, #tpu.memory_space<vmem>>, vector<16xf32>,
        %bitcast3A_186 = vector.bitcast %get3A_185 : vector<16xf32> to vector<32xbf16>
        %get3A_187 = arith.index_cast %add3A_182 : i32 to index
        %get3A_188 = arith.constant 0 : index
        %get3A_189 = tpu.vector_load %arg14[%get3A_187, %get3A_188] {strides = array<i32>} : memref<128x64xf32, #tpu.memory_space<vmem>>, vector<16xf32>,
        %bitcast3A_190 = vector.bitcast %get3A_189 : vector<16xf32> to vector<32xbf16>
        %mul3A_191 = arith.mulf %bitcast3A_186, %bitcast3A_190 : vector<32xbf16>
        %get3A_192 = arith.index_cast %add3A_182 : i32 to index
        %get3A_193 = arith.constant 16 : index
        %get3A_194 = tpu.vector_load %arg13[%get3A_192, %get3A_193] {strides = array<i32>} : memref<128x64xf32, #tpu.memory_space<vmem>>, vector<16xf32>,
        %bitcast3A_195 = vector.bitcast %get3A_194 : vector<16xf32> to vector<32xbf16>
        %get3A_196 = arith.index_cast %add3A_182 : i32 to index
        %get3A_197 = arith.constant 16 : index
        %get3A_198 = tpu.vector_load %arg14[%get3A_196, %get3A_197] {strides = array<i32>} : memref<128x64xf32, #tpu.memory_space<vmem>>, vector<16xf32>,
        %bitcast3A_199 = vector.bitcast %get3A_198 : vector<16xf32> to vector<32xbf16>
        %mul3A_200 = arith.mulf %bitcast3A_195, %bitcast3A_199 : vector<32xbf16>
        %add3A_201 = arith.addf %mul3A_191, %mul3A_200 : vector<32xbf16>
        %get3A_202 = arith.index_cast %add3A_182 : i32 to index
        %get3A_203 = arith.constant 32 : index
        %get3A_204 = tpu.vector_load %arg13[%get3A_202, %get3A_203] {strides = array<i32>} : memref<128x64xf32, #tpu.memory_space<vmem>>, vector<16xf32>,
        %bitcast3A_205 = vector.bitcast %get3A_204 : vector<16xf32> to vector<32xbf16>
        %get3A_206 = arith.index_cast %add3A_182 : i32 to index
        %get3A_207 = arith.constant 32 : index
        %get3A_208 = tpu.vector_load %arg14[%get3A_206, %get3A_207] {strides = array<i32>} : memref<128x64xf32, #tpu.memory_space<vmem>>, vector<16xf32>,
        %bitcast3A_209 = vector.bitcast %get3A_208 : vector<16xf32> to vector<32xbf16>
        %mul3A_210 = arith.mulf %bitcast3A_205, %bitcast3A_209 : vector<32xbf16>
        %add3A_211 = arith.addf %add3A_201, %mul3A_210 : vector<32xbf16>
        %get3A_212 = arith.index_cast %add3A_182 : i32 to index
        %get3A_213 = arith.constant 48 : index
        %get3A_214 = tpu.vector_load %arg13[%get3A_212, %get3A_213] {strides = array<i32>} : memref<128x64xf32, #tpu.memory_space<vmem>>, vector<16xf32>,
        %bitcast3A_215 = vector.bitcast %get3A_214 : vector<16xf32> to vector<32xbf16>
        %get3A_216 = arith.index_cast %add3A_182 : i32 to index
        %get3A_217 = arith.constant 48 : index
        %get3A_218 = tpu.vector_load %arg14[%get3A_216, %get3A_217] {strides = array<i32>} : memref<128x64xf32, #tpu.memory_space<vmem>>, vector<16xf32>,
        %bitcast3A_219 = vector.bitcast %get3A_218 : vector<16xf32> to vector<32xbf16>
        %mul3A_220 = arith.mulf %bitcast3A_215, %bitcast3A_219 : vector<32xbf16>
        %add3A_221 = arith.addf %add3A_211, %mul3A_220 : vector<32xbf16>
        %unpack3A_222 = tpu.unpack_subelements %add3A_221, 0 {pack_format = #tpu.pack_format<interleaved>} : vector<32xbf16> -> vector<16xf32>
        %unpack3A_223 = tpu.unpack_subelements %add3A_221, 1 {pack_format = #tpu.pack_format<interleaved>} : vector<32xbf16> -> vector<16xf32>
        %add3A_224 = arith.addf %unpack3A_222, %unpack3A_223 : vector<16xf32>
        %reduce_sum3A_225 = arith.constant true
        %reduce_sum3A_226 = vector.broadcast %reduce_sum3A_225 : i1 to vector<16xi1>
        %reduce_sum3A_227 = tpu.scan <sum>, %add3A_224 masked %reduce_sum3A_226 : vector<16xf32>, vector<16xi1> -> vector<16xf32>
        %reduce_sum3A_228 = vector.extract %reduce_sum3A_227[15] : f32 from vector<16xf32>
        %sub3A_229 = arith.constant 1.000000e+00 : f32
        %sub3A_230 = arith.subf %reduce_sum3A_228, %sub3A_229 : f32
        %mul3A_231 = arith.mulf %sub3A_230, %sub3A_230 : f32
        %add3A_232 = arith.addf %add3A_178, %mul3A_231 : f32
        %mul3A_233 = arith.constant 4 : i32
        %mul3A_234 = arith.muli %mul3A_233, %scan3A_130 : i32
        %add3A_235 = arith.constant 2 : i32
        %add3A_236 = arith.addi %mul3A_234, %add3A_235 : i32
        %get3A_237 = arith.index_cast %add3A_236 : i32 to index
        %get3A_238 = arith.constant 0 : index
        %get3A_239 = tpu.vector_load %arg13[%get3A_237, %get3A_238] {strides = array<i32>} : memref<128x64xf32, #tpu.memory_space<vmem>>, vector<16xf32>,
        %bitcast3A_240 = vector.bitcast %get3A_239 : vector<16xf32> to vector<32xbf16>
        %get3A_241 = arith.index_cast %add3A_236 : i32 to index
        %get3A_242 = arith.constant 0 : index
        %get3A_243 = tpu.vector_load %arg14[%get3A_241, %get3A_242] {strides = array<i32>} : memref<128x64xf32, #tpu.memory_space<vmem>>, vector<16xf32>,
        %bitcast3A_244 = vector.bitcast %get3A_243 : vector<16xf32> to vector<32xbf16>
        %mul3A_245 = arith.mulf %bitcast3A_240, %bitcast3A_244 : vector<32xbf16>
        %get3A_246 = arith.index_cast %add3A_236 : i32 to index
        %get3A_247 = arith.constant 16 : index
        %get3A_248 = tpu.vector_load %arg13[%get3A_246, %get3A_247] {strides = array<i32>} : memref<128x64xf32, #tpu.memory_space<vmem>>, vector<16xf32>,
        %bitcast3A_249 = vector.bitcast %get3A_248 : vector<16xf32> to vector<32xbf16>
        %get3A_250 = arith.index_cast %add3A_236 : i32 to index
        %get3A_251 = arith.constant 16 : index
        %get3A_252 = tpu.vector_load %arg14[%get3A_250, %get3A_251] {strides = array<i32>} : memref<128x64xf32, #tpu.memory_space<vmem>>, vector<16xf32>,
        %bitcast3A_253 = vector.bitcast %get3A_252 : vector<16xf32> to vector<32xbf16>
        %mul3A_254 = arith.mulf %bitcast3A_249, %bitcast3A_253 : vector<32xbf16>
        %add3A_255 = arith.addf %mul3A_245, %mul3A_254 : vector<32xbf16>
        %get3A_256 = arith.index_cast %add3A_236 : i32 to index
        %get3A_257 = arith.constant 32 : index
        %get3A_258 = tpu.vector_load %arg13[%get3A_256, %get3A_257] {strides = array<i32>} : memref<128x64xf32, #tpu.memory_space<vmem>>, vector<16xf32>,
        %bitcast3A_259 = vector.bitcast %get3A_258 : vector<16xf32> to vector<32xbf16>
        %get3A_260 = arith.index_cast %add3A_236 : i32 to index
        %get3A_261 = arith.constant 32 : index
        %get3A_262 = tpu.vector_load %arg14[%get3A_260, %get3A_261] {strides = array<i32>} : memref<128x64xf32, #tpu.memory_space<vmem>>, vector<16xf32>,
        %bitcast3A_263 = vector.bitcast %get3A_262 : vector<16xf32> to vector<32xbf16>
        %mul3A_264 = arith.mulf %bitcast3A_259, %bitcast3A_263 : vector<32xbf16>
        %add3A_265 = arith.addf %add3A_255, %mul3A_264 : vector<32xbf16>
        %get3A_266 = arith.index_cast %add3A_236 : i32 to index
        %get3A_267 = arith.constant 48 : index
        %get3A_268 = tpu.vector_load %arg13[%get3A_266, %get3A_267] {strides = array<i32>} : memref<128x64xf32, #tpu.memory_space<vmem>>, vector<16xf32>,
        %bitcast3A_269 = vector.bitcast %get3A_268 : vector<16xf32> to vector<32xbf16>
        %get3A_270 = arith.index_cast %add3A_236 : i32 to index
        %get3A_271 = arith.constant 48 : index
        %get3A_272 = tpu.vector_load %arg14[%get3A_270, %get3A_271] {strides = array<i32>} : memref<128x64xf32, #tpu.memory_space<vmem>>, vector<16xf32>,
        %bitcast3A_273 = vector.bitcast %get3A_272 : vector<16xf32> to vector<32xbf16>
        %mul3A_274 = arith.mulf %bitcast3A_269, %bitcast3A_273 : vector<32xbf16>
        %add3A_275 = arith.addf %add3A_265, %mul3A_274 : vector<32xbf16>
        %unpack3A_276 = tpu.unpack_subelements %add3A_275, 0 {pack_format = #tpu.pack_format<interleaved>} : vector<32xbf16> -> vector<16xf32>
        %unpack3A_277 = tpu.unpack_subelements %add3A_275, 1 {pack_format = #tpu.pack_format<interleaved>} : vector<32xbf16> -> vector<16xf32>
        %add3A_278 = arith.addf %unpack3A_276, %unpack3A_277 : vector<16xf32>
        %reduce_sum3A_279 = arith.constant true
        %reduce_sum3A_280 = vector.broadcast %reduce_sum3A_279 : i1 to vector<16xi1>
        %reduce_sum3A_281 = tpu.scan <sum>, %add3A_278 masked %reduce_sum3A_280 : vector<16xf32>, vector<16xi1> -> vector<16xf32>
        %reduce_sum3A_282 = vector.extract %reduce_sum3A_281[15] : f32 from vector<16xf32>
        %sub3A_283 = arith.constant 1.000000e+00 : f32
        %sub3A_284 = arith.subf %reduce_sum3A_282, %sub3A_283 : f32
        %mul3A_285 = arith.mulf %sub3A_284, %sub3A_284 : f32
        %add3A_286 = arith.addf %add3A_232, %mul3A_285 : f32
        %mul3A_287 = arith.constant 4 : i32
        %mul3A_288 = arith.muli %mul3A_287, %scan3A_130 : i32
        %add3A_289 = arith.constant 3 : i32
        %add3A_290 = arith.addi %mul3A_288, %add3A_289 : i32
        %get3A_291 = arith.index_cast %add3A_290 : i32 to index
        %get3A_292 = arith.constant 0 : index
        %get3A_293 = tpu.vector_load %arg13[%get3A_291, %get3A_292] {strides = array<i32>} : memref<128x64xf32, #tpu.memory_space<vmem>>, vector<16xf32>,
        %bitcast3A_294 = vector.bitcast %get3A_293 : vector<16xf32> to vector<32xbf16>
        %get3A_295 = arith.index_cast %add3A_290 : i32 to index
        %get3A_296 = arith.constant 0 : index
        %get3A_297 = tpu.vector_load %arg14[%get3A_295, %get3A_296] {strides = array<i32>} : memref<128x64xf32, #tpu.memory_space<vmem>>, vector<16xf32>,
        %bitcast3A_298 = vector.bitcast %get3A_297 : vector<16xf32> to vector<32xbf16>
        %mul3A_299 = arith.mulf %bitcast3A_294, %bitcast3A_298 : vector<32xbf16>
        %get3A_300 = arith.index_cast %add3A_290 : i32 to index
        %get3A_301 = arith.constant 16 : index
        %get3A_302 = tpu.vector_load %arg13[%get3A_300, %get3A_301] {strides = array<i32>} : memref<128x64xf32, #tpu.memory_space<vmem>>, vector<16xf32>,
        %bitcast3A_303 = vector.bitcast %get3A_302 : vector<16xf32> to vector<32xbf16>
        %get3A_304 = arith.index_cast %add3A_290 : i32 to index
        %get3A_305 = arith.constant 16 : index
        %get3A_306 = tpu.vector_load %arg14[%get3A_304, %get3A_305] {strides = array<i32>} : memref<128x64xf32, #tpu.memory_space<vmem>>, vector<16xf32>,
        %bitcast3A_307 = vector.bitcast %get3A_306 : vector<16xf32> to vector<32xbf16>
        %mul3A_308 = arith.mulf %bitcast3A_303, %bitcast3A_307 : vector<32xbf16>
        %add3A_309 = arith.addf %mul3A_299, %mul3A_308 : vector<32xbf16>
        %get3A_310 = arith.index_cast %add3A_290 : i32 to index
        %get3A_311 = arith.constant 32 : index
        %get3A_312 = tpu.vector_load %arg13[%get3A_310, %get3A_311] {strides = array<i32>} : memref<128x64xf32, #tpu.memory_space<vmem>>, vector<16xf32>,
        %bitcast3A_313 = vector.bitcast %get3A_312 : vector<16xf32> to vector<32xbf16>
        %get3A_314 = arith.index_cast %add3A_290 : i32 to index
        %get3A_315 = arith.constant 32 : index
        %get3A_316 = tpu.vector_load %arg14[%get3A_314, %get3A_315] {strides = array<i32>} : memref<128x64xf32, #tpu.memory_space<vmem>>, vector<16xf32>,
        %bitcast3A_317 = vector.bitcast %get3A_316 : vector<16xf32> to vector<32xbf16>
        %mul3A_318 = arith.mulf %bitcast3A_313, %bitcast3A_317 : vector<32xbf16>
        %add3A_319 = arith.addf %add3A_309, %mul3A_318 : vector<32xbf16>
        %get3A_320 = arith.index_cast %add3A_290 : i32 to index
        %get3A_321 = arith.constant 48 : index
        %get3A_322 = tpu.vector_load %arg13[%get3A_320, %get3A_321] {strides = array<i32>} : memref<128x64xf32, #tpu.memory_space<vmem>>, vector<16xf32>,
        %bitcast3A_323 = vector.bitcast %get3A_322 : vector<16xf32> to vector<32xbf16>
        %get3A_324 = arith.index_cast %add3A_290 : i32 to index
        %get3A_325 = arith.constant 48 : index
        %get3A_326 = tpu.vector_load %arg14[%get3A_324, %get3A_325] {strides = array<i32>} : memref<128x64xf32, #tpu.memory_space<vmem>>, vector<16xf32>,
        %bitcast3A_327 = vector.bitcast %get3A_326 : vector<16xf32> to vector<32xbf16>
        %mul3A_328 = arith.mulf %bitcast3A_323, %bitcast3A_327 : vector<32xbf16>
        %add3A_329 = arith.addf %add3A_319, %mul3A_328 : vector<32xbf16>
        %unpack3A_330 = tpu.unpack_subelements %add3A_329, 0 {pack_format = #tpu.pack_format<interleaved>} : vector<32xbf16> -> vector<16xf32>
        %unpack3A_331 = tpu.unpack_subelements %add3A_329, 1 {pack_format = #tpu.pack_format<interleaved>} : vector<32xbf16> -> vector<16xf32>
        %add3A_332 = arith.addf %unpack3A_330, %unpack3A_331 : vector<16xf32>
        %reduce_sum3A_333 = arith.constant true
        %reduce_sum3A_334 = vector.broadcast %reduce_sum3A_333 : i1 to vector<16xi1>
        %reduce_sum3A_335 = tpu.scan <sum>, %add3A_332 masked %reduce_sum3A_334 : vector<16xf32>, vector<16xi1> -> vector<16xf32>
        %reduce_sum3A_336 = vector.extract %reduce_sum3A_335[15] : f32 from vector<16xf32>
        %sub3A_337 = arith.constant 1.000000e+00 : f32
        %sub3A_338 = arith.subf %reduce_sum3A_336, %sub3A_337 : f32
        %mul3A_339 = arith.mulf %sub3A_338, %sub3A_338 : f32
        %add3A_340 = arith.addf %add3A_286, %mul3A_339 : f32
        scf.yield %add3A_340 : f32
      }
      %scan3A_102 = arith.constant 32 : i32
      %mul3A_103 = arith.constant 2 : i32
      %mul3A_104 = arith.muli %mul3A_103, %scan3A_78 : i32
      %add3A_105 = arith.constant 1 : i32
      %add3A_106 = arith.addi %mul3A_104, %add3A_105 : i32
      %dma_wait3A_107 = arith.constant 0 : i32
      %dma_wait3A_108 = tpu.memref_slice %arg11[%dma_wait3A_107] : memref<3328xi32, #tpu.memory_space<vmem>> -> memref<128xi32, #tpu.memory_space<vmem>>
      %dma_wait3A_109 = arith.constant 0 : i32
      %dma_wait3A_110 = arith.constant 0 : i32
      %dma_wait3A_111 = tpu.memref_slice %arg3[%dma_wait3A_109, %dma_wait3A_110] : memref<2176x64xf32, #tpu.memory_space<hbm>> -> memref<2176x64xf32, #tpu.memory_space<hbm>>
      tpu.wait_indirect_dma semaphore(%arg19 : memref<!tpu.dma_semaphore, #tpu.memory_space<semaphore_mem>>) src(%dma_wait3A_111 : memref<2176x64xf32, #tpu.memory_space<hbm>>) dst(%arg15 : memref<128x64xf32, #tpu.memory_space<vmem>>)
      %dma_wait3A_112 = arith.constant 0 : i32
      %dma_wait3A_113 = tpu.memref_slice %arg12[%dma_wait3A_112] : memref<3328xi32, #tpu.memory_space<vmem>> -> memref<128xi32, #tpu.memory_space<vmem>>
      %dma_wait3A_114 = arith.constant 0 : i32
      %dma_wait3A_115 = arith.constant 0 : i32
      %dma_wait3A_116 = tpu.memref_slice %arg2[%dma_wait3A_114, %dma_wait3A_115] : memref<10000x64xf32, #tpu.memory_space<hbm>> -> memref<10000x64xf32, #tpu.memory_space<hbm>>
      tpu.wait_indirect_dma semaphore(%arg21 : memref<!tpu.dma_semaphore, #tpu.memory_space<semaphore_mem>>) src(%dma_wait3A_116 : memref<10000x64xf32, #tpu.memory_space<hbm>>) dst(%arg16 : memref<128x64xf32, #tpu.memory_space<vmem>>)
      %add3A_117 = arith.constant 2 : i32
      %add3A_118 = arith.addi %add3A_106, %add3A_117 : i32
      %lt3A_119 = arith.constant 26 : i32
      %lt3A_120 = arith.cmpi slt, %add3A_118, %lt3A_119 : i32
      %convert_element_type3A_121 = arith.extui %lt3A_120 : i1 to i32
      %cond3A_122 = arith.constant 0 : i32
      %cond3A_123 = arith.cmpi ne, %convert_element_type3A_121, %cond3A_122 : i32
      scf.if %cond3A_123 {
        %add3A_130 = arith.constant 2 : i32
        %add3A_131 = arith.addi %add3A_106, %add3A_130 : i32
        %mul3A_132 = arith.constant 128 : i32
        %mul3A_133 = arith.muli %add3A_131, %mul3A_132 : i32
        %dma_start3A_134 = tpu.memref_slice %arg11[%mul3A_133] : memref<3328xi32, #tpu.memory_space<vmem>> -> memref<128xi32, #tpu.memory_space<vmem>>
        %dma_start3A_135 = arith.constant 0 : i32
        %dma_start3A_136 = arith.constant 0 : i32
        %dma_start3A_137 = tpu.memref_slice %arg3[%dma_start3A_135, %dma_start3A_136] : memref<2176x64xf32, #tpu.memory_space<hbm>> -> memref<2176x64xf32, #tpu.memory_space<hbm>>
        tpu.enqueue_indirect_dma source(%dma_start3A_137 : memref<2176x64xf32, #tpu.memory_space<hbm>>) target(%arg15 : memref<128x64xf32, #tpu.memory_space<vmem>>) offsets(%dma_start3A_134 : memref<128xi32, #tpu.memory_space<vmem>>) semaphore(%arg19 : memref<!tpu.dma_semaphore, #tpu.memory_space<semaphore_mem>>)
        %mul3A_138 = arith.constant 128 : i32
        %mul3A_139 = arith.muli %add3A_131, %mul3A_138 : i32
        %dma_start3A_140 = tpu.memref_slice %arg12[%mul3A_139] : memref<3328xi32, #tpu.memory_space<vmem>> -> memref<128xi32, #tpu.memory_space<vmem>>
        %dma_start3A_141 = arith.constant 0 : i32
        %dma_start3A_142 = arith.constant 0 : i32
        %dma_start3A_143 = tpu.memref_slice %arg2[%dma_start3A_141, %dma_start3A_142] : memref<10000x64xf32, #tpu.memory_space<hbm>> -> memref<10000x64xf32, #tpu.memory_space<hbm>>
        tpu.enqueue_indirect_dma source(%dma_start3A_143 : memref<10000x64xf32, #tpu.memory_space<hbm>>) target(%arg16 : memref<128x64xf32, #tpu.memory_space<vmem>>) offsets(%dma_start3A_140 : memref<128xi32, #tpu.memory_space<vmem>>) semaphore(%arg21 : memref<!tpu.dma_semaphore, #tpu.memory_space<semaphore_mem>>)
      } else {
      }
      %scan3A_124 = arith.constant 0 : i32
      %scan3A_125 = arith.constant 32 : i32
      %scan3A_126 = arith.addi %scan3A_124, %scan3A_125 : i32
      %scan3A_127 = arith.constant 1 : i32
      %scan3A_128 = scf.for %scan3A_130 = %scan3A_124 to %scan3A_126 step %scan3A_127 iter_args(%scan3A_131 = %scan3A_101) -> (f32)  : i32 {
        %mul3A_132 = arith.constant 4 : i32
        %mul3A_133 = arith.muli %mul3A_132, %scan3A_130 : i32
        %get3A = arith.index_cast %mul3A_133 : i32 to index
        %get3A_134 = arith.constant 0 : index
        %get3A_135 = tpu.vector_load %arg15[%get3A, %get3A_134] {strides = array<i32>} : memref<128x64xf32, #tpu.memory_space<vmem>>, vector<16xf32>,
        %bitcast3A = vector.bitcast %get3A_135 : vector<16xf32> to vector<32xbf16>
        %get3A_136 = arith.index_cast %mul3A_133 : i32 to index
        %get3A_137 = arith.constant 0 : index
        %get3A_138 = tpu.vector_load %arg16[%get3A_136, %get3A_137] {strides = array<i32>} : memref<128x64xf32, #tpu.memory_space<vmem>>, vector<16xf32>,
        %bitcast3A_139 = vector.bitcast %get3A_138 : vector<16xf32> to vector<32xbf16>
        %mul3A_140 = arith.mulf %bitcast3A, %bitcast3A_139 : vector<32xbf16>
        %get3A_141 = arith.index_cast %mul3A_133 : i32 to index
        %get3A_142 = arith.constant 16 : index
        %get3A_143 = tpu.vector_load %arg15[%get3A_141, %get3A_142] {strides = array<i32>} : memref<128x64xf32, #tpu.memory_space<vmem>>, vector<16xf32>,
        %bitcast3A_144 = vector.bitcast %get3A_143 : vector<16xf32> to vector<32xbf16>
        %get3A_145 = arith.index_cast %mul3A_133 : i32 to index
        %get3A_146 = arith.constant 16 : index
        %get3A_147 = tpu.vector_load %arg16[%get3A_145, %get3A_146] {strides = array<i32>} : memref<128x64xf32, #tpu.memory_space<vmem>>, vector<16xf32>,
        %bitcast3A_148 = vector.bitcast %get3A_147 : vector<16xf32> to vector<32xbf16>
        %mul3A_149 = arith.mulf %bitcast3A_144, %bitcast3A_148 : vector<32xbf16>
        %add3A_150 = arith.addf %mul3A_140, %mul3A_149 : vector<32xbf16>
        %get3A_151 = arith.index_cast %mul3A_133 : i32 to index
        %get3A_152 = arith.constant 32 : index
        %get3A_153 = tpu.vector_load %arg15[%get3A_151, %get3A_152] {strides = array<i32>} : memref<128x64xf32, #tpu.memory_space<vmem>>, vector<16xf32>,
        %bitcast3A_154 = vector.bitcast %get3A_153 : vector<16xf32> to vector<32xbf16>
        %get3A_155 = arith.index_cast %mul3A_133 : i32 to index
        %get3A_156 = arith.constant 32 : index
        %get3A_157 = tpu.vector_load %arg16[%get3A_155, %get3A_156] {strides = array<i32>} : memref<128x64xf32, #tpu.memory_space<vmem>>, vector<16xf32>,
        %bitcast3A_158 = vector.bitcast %get3A_157 : vector<16xf32> to vector<32xbf16>
        %mul3A_159 = arith.mulf %bitcast3A_154, %bitcast3A_158 : vector<32xbf16>
        %add3A_160 = arith.addf %add3A_150, %mul3A_159 : vector<32xbf16>
        %get3A_161 = arith.index_cast %mul3A_133 : i32 to index
        %get3A_162 = arith.constant 48 : index
        %get3A_163 = tpu.vector_load %arg15[%get3A_161, %get3A_162] {strides = array<i32>} : memref<128x64xf32, #tpu.memory_space<vmem>>, vector<16xf32>,
        %bitcast3A_164 = vector.bitcast %get3A_163 : vector<16xf32> to vector<32xbf16>
        %get3A_165 = arith.index_cast %mul3A_133 : i32 to index
        %get3A_166 = arith.constant 48 : index
        %get3A_167 = tpu.vector_load %arg16[%get3A_165, %get3A_166] {strides = array<i32>} : memref<128x64xf32, #tpu.memory_space<vmem>>, vector<16xf32>,
        %bitcast3A_168 = vector.bitcast %get3A_167 : vector<16xf32> to vector<32xbf16>
        %mul3A_169 = arith.mulf %bitcast3A_164, %bitcast3A_168 : vector<32xbf16>
        %add3A_170 = arith.addf %add3A_160, %mul3A_169 : vector<32xbf16>
        %unpack3A = tpu.unpack_subelements %add3A_170, 0 {pack_format = #tpu.pack_format<interleaved>} : vector<32xbf16> -> vector<16xf32>
        %unpack3A_171 = tpu.unpack_subelements %add3A_170, 1 {pack_format = #tpu.pack_format<interleaved>} : vector<32xbf16> -> vector<16xf32>
        %add3A_172 = arith.addf %unpack3A, %unpack3A_171 : vector<16xf32>
        %reduce_sum3A = arith.constant true
        %reduce_sum3A_173 = vector.broadcast %reduce_sum3A : i1 to vector<16xi1>
        %reduce_sum3A_174 = tpu.scan <sum>, %add3A_172 masked %reduce_sum3A_173 : vector<16xf32>, vector<16xi1> -> vector<16xf32>
        %reduce_sum3A_175 = vector.extract %reduce_sum3A_174[15] : f32 from vector<16xf32>
        %sub3A = arith.constant 1.000000e+00 : f32
        %sub3A_176 = arith.subf %reduce_sum3A_175, %sub3A : f32
        %mul3A_177 = arith.mulf %sub3A_176, %sub3A_176 : f32
        %add3A_178 = arith.addf %scan3A_131, %mul3A_177 : f32
        %mul3A_179 = arith.constant 4 : i32
        %mul3A_180 = arith.muli %mul3A_179, %scan3A_130 : i32
        %add3A_181 = arith.constant 1 : i32
        %add3A_182 = arith.addi %mul3A_180, %add3A_181 : i32
        %get3A_183 = arith.index_cast %add3A_182 : i32 to index
        %get3A_184 = arith.constant 0 : index
        %get3A_185 = tpu.vector_load %arg15[%get3A_183, %get3A_184] {strides = array<i32>} : memref<128x64xf32, #tpu.memory_space<vmem>>, vector<16xf32>,
        %bitcast3A_186 = vector.bitcast %get3A_185 : vector<16xf32> to vector<32xbf16>
        %get3A_187 = arith.index_cast %add3A_182 : i32 to index
        %get3A_188 = arith.constant 0 : index
        %get3A_189 = tpu.vector_load %arg16[%get3A_187, %get3A_188] {strides = array<i32>} : memref<128x64xf32, #tpu.memory_space<vmem>>, vector<16xf32>,
        %bitcast3A_190 = vector.bitcast %get3A_189 : vector<16xf32> to vector<32xbf16>
        %mul3A_191 = arith.mulf %bitcast3A_186, %bitcast3A_190 : vector<32xbf16>
        %get3A_192 = arith.index_cast %add3A_182 : i32 to index
        %get3A_193 = arith.constant 16 : index
        %get3A_194 = tpu.vector_load %arg15[%get3A_192, %get3A_193] {strides = array<i32>} : memref<128x64xf32, #tpu.memory_space<vmem>>, vector<16xf32>,
        %bitcast3A_195 = vector.bitcast %get3A_194 : vector<16xf32> to vector<32xbf16>
        %get3A_196 = arith.index_cast %add3A_182 : i32 to index
        %get3A_197 = arith.constant 16 : index
        %get3A_198 = tpu.vector_load %arg16[%get3A_196, %get3A_197] {strides = array<i32>} : memref<128x64xf32, #tpu.memory_space<vmem>>, vector<16xf32>,
        %bitcast3A_199 = vector.bitcast %get3A_198 : vector<16xf32> to vector<32xbf16>
        %mul3A_200 = arith.mulf %bitcast3A_195, %bitcast3A_199 : vector<32xbf16>
        %add3A_201 = arith.addf %mul3A_191, %mul3A_200 : vector<32xbf16>
        %get3A_202 = arith.index_cast %add3A_182 : i32 to index
        %get3A_203 = arith.constant 32 : index
        %get3A_204 = tpu.vector_load %arg15[%get3A_202, %get3A_203] {strides = array<i32>} : memref<128x64xf32, #tpu.memory_space<vmem>>, vector<16xf32>,
        %bitcast3A_205 = vector.bitcast %get3A_204 : vector<16xf32> to vector<32xbf16>
        %get3A_206 = arith.index_cast %add3A_182 : i32 to index
        %get3A_207 = arith.constant 32 : index
        %get3A_208 = tpu.vector_load %arg16[%get3A_206, %get3A_207] {strides = array<i32>} : memref<128x64xf32, #tpu.memory_space<vmem>>, vector<16xf32>,
        %bitcast3A_209 = vector.bitcast %get3A_208 : vector<16xf32> to vector<32xbf16>
        %mul3A_210 = arith.mulf %bitcast3A_205, %bitcast3A_209 : vector<32xbf16>
        %add3A_211 = arith.addf %add3A_201, %mul3A_210 : vector<32xbf16>
        %get3A_212 = arith.index_cast %add3A_182 : i32 to index
        %get3A_213 = arith.constant 48 : index
        %get3A_214 = tpu.vector_load %arg15[%get3A_212, %get3A_213] {strides = array<i32>} : memref<128x64xf32, #tpu.memory_space<vmem>>, vector<16xf32>,
        %bitcast3A_215 = vector.bitcast %get3A_214 : vector<16xf32> to vector<32xbf16>
        %get3A_216 = arith.index_cast %add3A_182 : i32 to index
        %get3A_217 = arith.constant 48 : index
        %get3A_218 = tpu.vector_load %arg16[%get3A_216, %get3A_217] {strides = array<i32>} : memref<128x64xf32, #tpu.memory_space<vmem>>, vector<16xf32>,
        %bitcast3A_219 = vector.bitcast %get3A_218 : vector<16xf32> to vector<32xbf16>
        %mul3A_220 = arith.mulf %bitcast3A_215, %bitcast3A_219 : vector<32xbf16>
        %add3A_221 = arith.addf %add3A_211, %mul3A_220 : vector<32xbf16>
        %unpack3A_222 = tpu.unpack_subelements %add3A_221, 0 {pack_format = #tpu.pack_format<interleaved>} : vector<32xbf16> -> vector<16xf32>
        %unpack3A_223 = tpu.unpack_subelements %add3A_221, 1 {pack_format = #tpu.pack_format<interleaved>} : vector<32xbf16> -> vector<16xf32>
        %add3A_224 = arith.addf %unpack3A_222, %unpack3A_223 : vector<16xf32>
        %reduce_sum3A_225 = arith.constant true
        %reduce_sum3A_226 = vector.broadcast %reduce_sum3A_225 : i1 to vector<16xi1>
        %reduce_sum3A_227 = tpu.scan <sum>, %add3A_224 masked %reduce_sum3A_226 : vector<16xf32>, vector<16xi1> -> vector<16xf32>
        %reduce_sum3A_228 = vector.extract %reduce_sum3A_227[15] : f32 from vector<16xf32>
        %sub3A_229 = arith.constant 1.000000e+00 : f32
        %sub3A_230 = arith.subf %reduce_sum3A_228, %sub3A_229 : f32
        %mul3A_231 = arith.mulf %sub3A_230, %sub3A_230 : f32
        %add3A_232 = arith.addf %add3A_178, %mul3A_231 : f32
        %mul3A_233 = arith.constant 4 : i32
        %mul3A_234 = arith.muli %mul3A_233, %scan3A_130 : i32
        %add3A_235 = arith.constant 2 : i32
        %add3A_236 = arith.addi %mul3A_234, %add3A_235 : i32
        %get3A_237 = arith.index_cast %add3A_236 : i32 to index
        %get3A_238 = arith.constant 0 : index
        %get3A_239 = tpu.vector_load %arg15[%get3A_237, %get3A_238] {strides = array<i32>} : memref<128x64xf32, #tpu.memory_space<vmem>>, vector<16xf32>,
        %bitcast3A_240 = vector.bitcast %get3A_239 : vector<16xf32> to vector<32xbf16>
        %get3A_241 = arith.index_cast %add3A_236 : i32 to index
        %get3A_242 = arith.constant 0 : index
        %get3A_243 = tpu.vector_load %arg16[%get3A_241, %get3A_242] {strides = array<i32>} : memref<128x64xf32, #tpu.memory_space<vmem>>, vector<16xf32>,
        %bitcast3A_244 = vector.bitcast %get3A_243 : vector<16xf32> to vector<32xbf16>
        %mul3A_245 = arith.mulf %bitcast3A_240, %bitcast3A_244 : vector<32xbf16>
        %get3A_246 = arith.index_cast %add3A_236 : i32 to index
        %get3A_247 = arith.constant 16 : index
        %get3A_248 = tpu.vector_load %arg15[%get3A_246, %get3A_247] {strides = array<i32>} : memref<128x64xf32, #tpu.memory_space<vmem>>, vector<16xf32>,
        %bitcast3A_249 = vector.bitcast %get3A_248 : vector<16xf32> to vector<32xbf16>
        %get3A_250 = arith.index_cast %add3A_236 : i32 to index
        %get3A_251 = arith.constant 16 : index
        %get3A_252 = tpu.vector_load %arg16[%get3A_250, %get3A_251] {strides = array<i32>} : memref<128x64xf32, #tpu.memory_space<vmem>>, vector<16xf32>,
        %bitcast3A_253 = vector.bitcast %get3A_252 : vector<16xf32> to vector<32xbf16>
        %mul3A_254 = arith.mulf %bitcast3A_249, %bitcast3A_253 : vector<32xbf16>
        %add3A_255 = arith.addf %mul3A_245, %mul3A_254 : vector<32xbf16>
        %get3A_256 = arith.index_cast %add3A_236 : i32 to index
        %get3A_257 = arith.constant 32 : index
        %get3A_258 = tpu.vector_load %arg15[%get3A_256, %get3A_257] {strides = array<i32>} : memref<128x64xf32, #tpu.memory_space<vmem>>, vector<16xf32>,
        %bitcast3A_259 = vector.bitcast %get3A_258 : vector<16xf32> to vector<32xbf16>
        %get3A_260 = arith.index_cast %add3A_236 : i32 to index
        %get3A_261 = arith.constant 32 : index
        %get3A_262 = tpu.vector_load %arg16[%get3A_260, %get3A_261] {strides = array<i32>} : memref<128x64xf32, #tpu.memory_space<vmem>>, vector<16xf32>,
        %bitcast3A_263 = vector.bitcast %get3A_262 : vector<16xf32> to vector<32xbf16>
        %mul3A_264 = arith.mulf %bitcast3A_259, %bitcast3A_263 : vector<32xbf16>
        %add3A_265 = arith.addf %add3A_255, %mul3A_264 : vector<32xbf16>
        %get3A_266 = arith.index_cast %add3A_236 : i32 to index
        %get3A_267 = arith.constant 48 : index
        %get3A_268 = tpu.vector_load %arg15[%get3A_266, %get3A_267] {strides = array<i32>} : memref<128x64xf32, #tpu.memory_space<vmem>>, vector<16xf32>,
        %bitcast3A_269 = vector.bitcast %get3A_268 : vector<16xf32> to vector<32xbf16>
        %get3A_270 = arith.index_cast %add3A_236 : i32 to index
        %get3A_271 = arith.constant 48 : index
        %get3A_272 = tpu.vector_load %arg16[%get3A_270, %get3A_271] {strides = array<i32>} : memref<128x64xf32, #tpu.memory_space<vmem>>, vector<16xf32>,
        %bitcast3A_273 = vector.bitcast %get3A_272 : vector<16xf32> to vector<32xbf16>
        %mul3A_274 = arith.mulf %bitcast3A_269, %bitcast3A_273 : vector<32xbf16>
        %add3A_275 = arith.addf %add3A_265, %mul3A_274 : vector<32xbf16>
        %unpack3A_276 = tpu.unpack_subelements %add3A_275, 0 {pack_format = #tpu.pack_format<interleaved>} : vector<32xbf16> -> vector<16xf32>
        %unpack3A_277 = tpu.unpack_subelements %add3A_275, 1 {pack_format = #tpu.pack_format<interleaved>} : vector<32xbf16> -> vector<16xf32>
        %add3A_278 = arith.addf %unpack3A_276, %unpack3A_277 : vector<16xf32>
        %reduce_sum3A_279 = arith.constant true
        %reduce_sum3A_280 = vector.broadcast %reduce_sum3A_279 : i1 to vector<16xi1>
        %reduce_sum3A_281 = tpu.scan <sum>, %add3A_278 masked %reduce_sum3A_280 : vector<16xf32>, vector<16xi1> -> vector<16xf32>
        %reduce_sum3A_282 = vector.extract %reduce_sum3A_281[15] : f32 from vector<16xf32>
        %sub3A_283 = arith.constant 1.000000e+00 : f32
        %sub3A_284 = arith.subf %reduce_sum3A_282, %sub3A_283 : f32
        %mul3A_285 = arith.mulf %sub3A_284, %sub3A_284 : f32
        %add3A_286 = arith.addf %add3A_232, %mul3A_285 : f32
        %mul3A_287 = arith.constant 4 : i32
        %mul3A_288 = arith.muli %mul3A_287, %scan3A_130 : i32
        %add3A_289 = arith.constant 3 : i32
        %add3A_290 = arith.addi %mul3A_288, %add3A_289 : i32
        %get3A_291 = arith.index_cast %add3A_290 : i32 to index
        %get3A_292 = arith.constant 0 : index
        %get3A_293 = tpu.vector_load %arg15[%get3A_291, %get3A_292] {strides = array<i32>} : memref<128x64xf32, #tpu.memory_space<vmem>>, vector<16xf32>,
        %bitcast3A_294 = vector.bitcast %get3A_293 : vector<16xf32> to vector<32xbf16>
        %get3A_295 = arith.index_cast %add3A_290 : i32 to index
        %get3A_296 = arith.constant 0 : index
        %get3A_297 = tpu.vector_load %arg16[%get3A_295, %get3A_296] {strides = array<i32>} : memref<128x64xf32, #tpu.memory_space<vmem>>, vector<16xf32>,
        %bitcast3A_298 = vector.bitcast %get3A_297 : vector<16xf32> to vector<32xbf16>
        %mul3A_299 = arith.mulf %bitcast3A_294, %bitcast3A_298 : vector<32xbf16>
        %get3A_300 = arith.index_cast %add3A_290 : i32 to index
        %get3A_301 = arith.constant 16 : index
        %get3A_302 = tpu.vector_load %arg15[%get3A_300, %get3A_301] {strides = array<i32>} : memref<128x64xf32, #tpu.memory_space<vmem>>, vector<16xf32>,
        %bitcast3A_303 = vector.bitcast %get3A_302 : vector<16xf32> to vector<32xbf16>
        %get3A_304 = arith.index_cast %add3A_290 : i32 to index
        %get3A_305 = arith.constant 16 : index
        %get3A_306 = tpu.vector_load %arg16[%get3A_304, %get3A_305] {strides = array<i32>} : memref<128x64xf32, #tpu.memory_space<vmem>>, vector<16xf32>,
        %bitcast3A_307 = vector.bitcast %get3A_306 : vector<16xf32> to vector<32xbf16>
        %mul3A_308 = arith.mulf %bitcast3A_303, %bitcast3A_307 : vector<32xbf16>
        %add3A_309 = arith.addf %mul3A_299, %mul3A_308 : vector<32xbf16>
        %get3A_310 = arith.index_cast %add3A_290 : i32 to index
        %get3A_311 = arith.constant 32 : index
        %get3A_312 = tpu.vector_load %arg15[%get3A_310, %get3A_311] {strides = array<i32>} : memref<128x64xf32, #tpu.memory_space<vmem>>, vector<16xf32>,
        %bitcast3A_313 = vector.bitcast %get3A_312 : vector<16xf32> to vector<32xbf16>
        %get3A_314 = arith.index_cast %add3A_290 : i32 to index
        %get3A_315 = arith.constant 32 : index
        %get3A_316 = tpu.vector_load %arg16[%get3A_314, %get3A_315] {strides = array<i32>} : memref<128x64xf32, #tpu.memory_space<vmem>>, vector<16xf32>,
        %bitcast3A_317 = vector.bitcast %get3A_316 : vector<16xf32> to vector<32xbf16>
        %mul3A_318 = arith.mulf %bitcast3A_313, %bitcast3A_317 : vector<32xbf16>
        %add3A_319 = arith.addf %add3A_309, %mul3A_318 : vector<32xbf16>
        %get3A_320 = arith.index_cast %add3A_290 : i32 to index
        %get3A_321 = arith.constant 48 : index
        %get3A_322 = tpu.vector_load %arg15[%get3A_320, %get3A_321] {strides = array<i32>} : memref<128x64xf32, #tpu.memory_space<vmem>>, vector<16xf32>,
        %bitcast3A_323 = vector.bitcast %get3A_322 : vector<16xf32> to vector<32xbf16>
        %get3A_324 = arith.index_cast %add3A_290 : i32 to index
        %get3A_325 = arith.constant 48 : index
        %get3A_326 = tpu.vector_load %arg16[%get3A_324, %get3A_325] {strides = array<i32>} : memref<128x64xf32, #tpu.memory_space<vmem>>, vector<16xf32>,
        %bitcast3A_327 = vector.bitcast %get3A_326 : vector<16xf32> to vector<32xbf16>
        %mul3A_328 = arith.mulf %bitcast3A_323, %bitcast3A_327 : vector<32xbf16>
        %add3A_329 = arith.addf %add3A_319, %mul3A_328 : vector<32xbf16>
        %unpack3A_330 = tpu.unpack_subelements %add3A_329, 0 {pack_format = #tpu.pack_format<interleaved>} : vector<32xbf16> -> vector<16xf32>
        %unpack3A_331 = tpu.unpack_subelements %add3A_329, 1 {pack_format = #tpu.pack_format<interleaved>} : vector<32xbf16> -> vector<16xf32>
        %add3A_332 = arith.addf %unpack3A_330, %unpack3A_331 : vector<16xf32>
        %reduce_sum3A_333 = arith.constant true
        %reduce_sum3A_334 = vector.broadcast %reduce_sum3A_333 : i1 to vector<16xi1>
        %reduce_sum3A_335 = tpu.scan <sum>, %add3A_332 masked %reduce_sum3A_334 : vector<16xf32>, vector<16xi1> -> vector<16xf32>
        %reduce_sum3A_336 = vector.extract %reduce_sum3A_335[15] : f32 from vector<16xf32>
        %sub3A_337 = arith.constant 1.000000e+00 : f32
        %sub3A_338 = arith.subf %reduce_sum3A_336, %sub3A_337 : f32
        %mul3A_339 = arith.mulf %sub3A_338, %sub3A_338 : f32
        %add3A_340 = arith.addf %add3A_286, %mul3A_339 : f32
        scf.yield %add3A_340 : f32
      }
      %scan3A_129 = arith.constant 32 : i32
      scf.yield %scan3A_128 : f32
    }
    %scan3A_60 = arith.constant 13 : i32
    %iota3A = tpu.iota {dimensions = array<i32: 0>} : vector<16xi32>
    %eq3A = arith.constant 0 : i32
    %eq3A_61 = vector.broadcast %eq3A : i32 to vector<16xi32>
    %eq3A_62 = arith.cmpi eq, %iota3A, %eq3A_61 : vector<16xi32>
    %jit3A = arith.constant 0.000000e+00 : f32
    %broadcast_in_dim3A = vector.broadcast %scan3A_32 : f32 to vector<16xf32>
    %broadcast_in_dim3A_63 = vector.broadcast %jit3A : f32 to vector<16xf32>
    %select_n3A = arith.select %eq3A_62, %broadcast_in_dim3A, %broadcast_in_dim3A_63 : vector<16xi1>, vector<16xf32>
    %swap3A = arith.constant 0 : i32
    %swap3A_64 = arith.index_cast %swap3A : i32 to index
    %swap3A_65 = arith.constant 0 : index
    %swap3A_66 = tpu.vector_load %arg17[%swap3A_64, %swap3A_65] {strides = array<i32>} : memref<2x16xf32, #tpu.memory_space<vmem>>, vector<16xf32>,
    tpu.vector_store %arg17[%swap3A_64, %swap3A_65], %select_n3A {strides = array<i32>} : memref<2x16xf32, #tpu.memory_space<vmem>>, vector<16xf32>,
    %eq3A_67 = arith.constant 0 : i32
    %eq3A_68 = vector.broadcast %eq3A_67 : i32 to vector<16xi32>
    %eq3A_69 = arith.cmpi eq, %iota3A, %eq3A_68 : vector<16xi32>
    %jit3A_70 = arith.constant 0.000000e+00 : f32
    %broadcast_in_dim3A_71 = vector.broadcast %scan3A_59 : f32 to vector<16xf32>
    %broadcast_in_dim3A_72 = vector.broadcast %jit3A_70 : f32 to vector<16xf32>
    %select_n3A_73 = arith.select %eq3A_69, %broadcast_in_dim3A_71, %broadcast_in_dim3A_72 : vector<16xi1>, vector<16xf32>
    %swap3A_74 = arith.constant 1 : i32
    %swap3A_75 = arith.index_cast %swap3A_74 : i32 to index
    %swap3A_76 = arith.constant 0 : index
    %swap3A_77 = tpu.vector_load %arg17[%swap3A_75, %swap3A_76] {strides = array<i32>} : memref<2x16xf32, #tpu.memory_space<vmem>>, vector<16xf32>,
    tpu.vector_store %arg17[%swap3A_75, %swap3A_76], %select_n3A_73 {strides = array<i32>} : memref<2x16xf32, #tpu.memory_space<vmem>>, vector<16xf32>,
    "tpu.region"() ({
      %run_scoped3A = tpu.sem_alloc : memref<!tpu.dma_semaphore, #tpu.memory_space<semaphore_mem>>
      %dma_start3A_78 = arith.constant 0 : i32
      %dma_start3A_79 = arith.constant 0 : i32
      %dma_start3A_80 = tpu.memref_slice %arg8[%add3A, %dma_start3A_78, %dma_start3A_79] : memref<32x2x16xf32, #tpu.memory_space<hbm>> -> memref<1x2x16xf32, #tpu.memory_space<hbm>>
      %dma_start3A_81 = tpu.memref_squeeze %dma_start3A_80 : memref<1x2x16xf32, #tpu.memory_space<hbm>> -> memref<2x16xf32, #tpu.memory_space<hbm>>
      %dma_start3A_82 = arith.constant 0 : i32
      %dma_start3A_83 = arith.constant 0 : i32
      %dma_start3A_84 = tpu.memref_slice %arg8[%add3A, %dma_start3A_82, %dma_start3A_83] : memref<32x2x16xf32, #tpu.memory_space<hbm>> -> memref<1x2x16xf32, #tpu.memory_space<hbm>>
      %dma_start3A_85 = tpu.memref_squeeze %dma_start3A_84 : memref<1x2x16xf32, #tpu.memory_space<hbm>> -> memref<2x16xf32, #tpu.memory_space<hbm>>
      tpu.enqueue_dma source(%arg17 : memref<2x16xf32, #tpu.memory_space<vmem>>) target(%dma_start3A_85 : memref<2x16xf32, #tpu.memory_space<hbm>>) target_semaphore(%run_scoped3A : memref<!tpu.dma_semaphore, #tpu.memory_space<semaphore_mem>>)
      %dma_wait3A = arith.constant 0 : i32
      %dma_wait3A_86 = arith.constant 0 : i32
      %dma_wait3A_87 = tpu.memref_slice %arg8[%add3A, %dma_wait3A, %dma_wait3A_86] : memref<32x2x16xf32, #tpu.memory_space<hbm>> -> memref<1x2x16xf32, #tpu.memory_space<hbm>>
      %dma_wait3A_88 = tpu.memref_squeeze %dma_wait3A_87 : memref<1x2x16xf32, #tpu.memory_space<hbm>> -> memref<2x16xf32, #tpu.memory_space<hbm>>
      %dma_wait3A_89 = arith.constant 0 : i32
      %dma_wait3A_90 = arith.constant 0 : i32
      %dma_wait3A_91 = tpu.memref_slice %arg8[%add3A, %dma_wait3A_89, %dma_wait3A_90] : memref<32x2x16xf32, #tpu.memory_space<hbm>> -> memref<1x2x16xf32, #tpu.memory_space<hbm>>
      %dma_wait3A_92 = tpu.memref_squeeze %dma_wait3A_91 : memref<1x2x16xf32, #tpu.memory_space<hbm>> -> memref<2x16xf32, #tpu.memory_space<hbm>>
      tpu.wait_dma2 semaphore(%run_scoped3A : memref<!tpu.dma_semaphore, #tpu.memory_space<semaphore_mem>>) src(%arg17 : memref<2x16xf32, #tpu.memory_space<vmem>>) dst(%dma_wait3A_92 : memref<2x16xf32, #tpu.memory_space<hbm>>)
      tpu.yield
    }) : () -> ()
    return
  }
}

module attributes {stable_mosaic.version = 14 : i64} {
  func.func @_dense_body(%arg0: memref<10000x128xf32, #tpu.memory_space<vmem>>, %arg1: memref<2000x128xf32, #tpu.memory_space<vmem>>, %arg2: memref<784x128xf32, #tpu.memory_space<vmem>>, %arg3: memref<784x128xf32, #tpu.memory_space<vmem>>, %arg4: memref<10000x128xbf16, #tpu.memory_space<vmem>>, %arg5: memref<2176x128xbf16, #tpu.memory_space<vmem>>, %arg6: memref<1x128xf32, #tpu.memory_space<vmem>>) attributes {dimension_semantics = [], scalar_prefetch = 0 : i64, scratch_operands = 0 : i64, tpu.core_type = #tpu.core_type<tc>} {
    %get3A = arith.constant 0 : index
    %get3A_0 = arith.constant 0 : index
    %get3A_1 = vector.load %arg0[%get3A, %get3A_0] : memref<10000x128xf32, #tpu.memory_space<vmem>>, vector<10000x128xf32>
    %mul3A = arith.mulf %get3A_1, %get3A_1 : vector<10000x128xf32>
    %reduce_sum3A = arith.constant dense<0.000000e+00> : vector<10000xf32>
    %reduce_sum3A_2 = vector.multi_reduction <add>, %mul3A, %reduce_sum3A [1] : vector<10000x128xf32> to vector<10000xf32>
    %broadcast_in_dim3A = vector.shape_cast %reduce_sum3A_2 : vector<10000xf32> to vector<10000x1xf32>
    %sqrt3A = math.sqrt %broadcast_in_dim3A : vector<10000x1xf32>
    %max3A = arith.constant 9.99999996E-13 : f32
    %max3A_3 = vector.broadcast %max3A : f32 to vector<10000x1xf32>
    %max3A_4 = arith.maximumf %sqrt3A, %max3A_3 : vector<10000x1xf32>
    %div3A = vector.broadcast %max3A_4 : vector<10000x1xf32> to vector<10000x128xf32>
    %div3A_5 = arith.divf %get3A_1, %div3A : vector<10000x128xf32>
    %convert_element_type3A = arith.truncf %div3A_5 : vector<10000x128xf32> to vector<10000x128xbf16>
    %swap3A = arith.constant 0 : index
    %swap3A_6 = arith.constant 0 : index
    %swap3A_7 = vector.load %arg4[%swap3A, %swap3A_6] : memref<10000x128xbf16, #tpu.memory_space<vmem>>, vector<10000x128xbf16>
    tpu.vector_store %arg4[%swap3A, %swap3A_6], %convert_element_type3A {strides = array<i32>} : memref<10000x128xbf16, #tpu.memory_space<vmem>>, vector<10000x128xbf16>,
    %get3A_8 = arith.constant 0 : index
    %get3A_9 = arith.constant 0 : index
    %get3A_10 = vector.load %arg1[%get3A_8, %get3A_9] : memref<2000x128xf32, #tpu.memory_space<vmem>>, vector<2000x128xf32>
    %mul3A_11 = arith.mulf %get3A_10, %get3A_10 : vector<2000x128xf32>
    %reduce_sum3A_12 = arith.constant dense<0.000000e+00> : vector<2000xf32>
    %reduce_sum3A_13 = vector.multi_reduction <add>, %mul3A_11, %reduce_sum3A_12 [1] : vector<2000x128xf32> to vector<2000xf32>
    %broadcast_in_dim3A_14 = vector.shape_cast %reduce_sum3A_13 : vector<2000xf32> to vector<2000x1xf32>
    %sqrt3A_15 = math.sqrt %broadcast_in_dim3A_14 : vector<2000x1xf32>
    %max3A_16 = arith.constant 9.99999996E-13 : f32
    %max3A_17 = vector.broadcast %max3A_16 : f32 to vector<2000x1xf32>
    %max3A_18 = arith.maximumf %sqrt3A_15, %max3A_17 : vector<2000x1xf32>
    %div3A_19 = vector.broadcast %max3A_18 : vector<2000x1xf32> to vector<2000x128xf32>
    %div3A_20 = arith.divf %get3A_10, %div3A_19 : vector<2000x128xf32>
    %convert_element_type3A_21 = arith.truncf %div3A_20 : vector<2000x128xf32> to vector<2000x128xbf16>
    %swap3A_22 = arith.constant 0 : index
    %swap3A_23 = arith.constant 0 : index
    %swap3A_24 = vector.load %arg5[%swap3A_22, %swap3A_23] : memref<2176x128xbf16, #tpu.memory_space<vmem>>, vector<2000x128xbf16>
    tpu.vector_store %arg5[%swap3A_22, %swap3A_23], %convert_element_type3A_21 {strides = array<i32>} : memref<2176x128xbf16, #tpu.memory_space<vmem>>, vector<2000x128xbf16>,
    %broadcast_in_dim3A_25 = arith.constant 0.000000e+00 : bf16
    %broadcast_in_dim3A_26 = vector.broadcast %broadcast_in_dim3A_25 : bf16 to vector<176x128xbf16>
    %swap3A_27 = arith.constant 2000 : index
    %swap3A_28 = arith.constant 0 : index
    %swap3A_29 = vector.load %arg5[%swap3A_27, %swap3A_28] : memref<2176x128xbf16, #tpu.memory_space<vmem>>, vector<176x128xbf16>
    tpu.vector_store %arg5[%swap3A_27, %swap3A_28], %broadcast_in_dim3A_26 {strides = array<i32>} : memref<2176x128xbf16, #tpu.memory_space<vmem>>, vector<176x128xbf16>,
    %get3A_30 = arith.constant 0 : index
    %get3A_31 = arith.constant 0 : index
    %get3A_32 = vector.load %arg2[%get3A_30, %get3A_31] : memref<784x128xf32, #tpu.memory_space<vmem>>, vector<784x128xf32>
    %get3A_33 = arith.constant 0 : index
    %get3A_34 = arith.constant 0 : index
    %get3A_35 = vector.load %arg3[%get3A_33, %get3A_34] : memref<784x128xf32, #tpu.memory_space<vmem>>, vector<784x128xf32>
    %max3A_36 = arith.constant 0.000000e+00 : f32
    %max3A_37 = vector.broadcast %max3A_36 : f32 to vector<784x128xf32>
    %max3A_38 = arith.maximumf %get3A_32, %max3A_37 : vector<784x128xf32>
    %mul3A_39 = arith.mulf %get3A_32, %get3A_35 : vector<784x128xf32>
    %sub3A = arith.subf %max3A_38, %mul3A_39 : vector<784x128xf32>
    %abs3A = math.absf %get3A_32 : vector<784x128xf32>
    %neg3A = arith.constant 0.000000e+00 : f32
    %neg3A_40 = vector.broadcast %neg3A : f32 to vector<784x128xf32>
    %neg3A_41 = arith.subf %neg3A_40, %abs3A : vector<784x128xf32>
    %exp3A = math.exp %neg3A_41 : vector<784x128xf32>
    %log1p3A = math.log1p %exp3A : vector<784x128xf32>
    %add3A = arith.addf %sub3A, %log1p3A : vector<784x128xf32>
    %iota3A = tpu.iota {dimensions = array<i32: 0>} : vector<784x128xi32>
    %mul3A_42 = arith.constant 128 : i32
    %mul3A_43 = vector.broadcast %mul3A_42 : i32 to vector<784x128xi32>
    %mul3A_44 = arith.muli %iota3A, %mul3A_43 : vector<784x128xi32>
    %iota3A_45 = tpu.iota {dimensions = array<i32: 1>} : vector<784x128xi32>
    %add3A_46 = arith.addi %mul3A_44, %iota3A_45 : vector<784x128xi32>
    %lt3A = arith.constant 100000 : i32
    %lt3A_47 = vector.broadcast %lt3A : i32 to vector<784x128xi32>
    %lt3A_48 = arith.cmpi slt, %add3A_46, %lt3A_47 : vector<784x128xi32>
    %jit3A = arith.constant 0.000000e+00 : f32
    %broadcast_in_dim3A_49 = vector.broadcast %jit3A : f32 to vector<784x128xf32>
    %select_n3A = arith.select %lt3A_48, %add3A, %broadcast_in_dim3A_49 : vector<784x128xi1>, vector<784x128xf32>
    %reduce_sum3A_50 = arith.constant dense<0.000000e+00> : vector<128xf32>
    %reduce_sum3A_51 = vector.multi_reduction <add>, %select_n3A, %reduce_sum3A_50 [0] : vector<784x128xf32> to vector<128xf32>
    %broadcast_in_dim3A_52 = vector.shape_cast %reduce_sum3A_51 : vector<128xf32> to vector<1x128xf32>
    %swap3A_53 = arith.constant 0 : index
    %swap3A_54 = arith.constant 0 : index
    %swap3A_55 = vector.load %arg6[%swap3A_53, %swap3A_54] : memref<1x128xf32, #tpu.memory_space<vmem>>, vector<1x128xf32>
    tpu.vector_store %arg6[%swap3A_53, %swap3A_54], %broadcast_in_dim3A_52 {strides = array<i32>} : memref<1x128xf32, #tpu.memory_space<vmem>>, vector<1x128xf32>,
    return
  }
}

</mosaic_0001>

<sc_bundles>
// kernel: kernel.4.cloned.1.call-start
scs
__scs_entry_jumppad:
0x0: {  	(pc) =	sbr.rel $0x88, $3  }
0x1: {  	(tag) =	ssettag $0x0;
	lr =	simm.s32 $0x1  }
0x2: {  	[smem:$0x3F9A] =	sst lr;
	_ =	strace $0xD0000000  }
0x3: {  	_ = 	snop  }
0x4: {  	_ = 	snop  }
0x5: {  	_ = 	snop  }
0x6: {  	_ = 	snop  }
0x7: {  	_ = 	snop  }
__scs_overlays_trampoline_lowered:
0x8: {  	[smem:$0x3FA9] =	sst s0  }
0x9: {  	[smem:$0x3FAA] =	sst s1  }
0xa: {  	[smem:$0x3FAB] =	sst s2  }
0xb: {  	[smem:$0x3FAC] =	sst s3  }
0xc: {  	[smem:$0x3FAD] =	sst s4  }
0xd: {  	[smem:$0x3FAE] =	sst s5  }
0xe: {  	[smem:$0x3FAF] =	sst s6  }
0xf: {  	[smem:$0x3FB0] =	sst s7  }
0x10: {  	[smem:$0x3FB1] =	sst s8  }
0x11: {  	[smem:$0x3FB2] =	sst s9;
	s0 =	simm.s32 @!p0 $0x0  }
0x12: {  	s1 =	sld [smem:$0x3F98];
	s0 =	simm.s32 @p0 $0x1  }
0x13: {  	[smem:$0x3FB3] =	sst s0;
	s0 =	simm.s32 @!p1 $0x0  }
0x14: {  	s2 =	sld [smem:$0x3F97];
	s0 =	simm.s32 @p1 $0x1  }
0x15: {  	[smem:$0x3FB4] =	sst s0;
	s0 =	simm.s32 @!p2 $0x0  }
0x16: {  	s3 =	sld [smem:$0x3FDB];
	s0 =	simm.s32 @p2 $0x1  }
0x17: {  	s4 =	simm.s32 $0x1BF5;
	[smem:$0x3FB6] =	sst s0  }
0x18: {  	s0 =	sld [smem:$0x3F99];
	_ =	swait.ge [sflag:s4], $0x0  }
0x19: {  	s7 =	sld [smem:$0x3F9A]  }
0x1a: {  	s8 =	sadd.s32 $0xFFFFE003, lr  }
0x1b: {  	s9 =	sadd.s32 $0xFFFFFEF7, lr;
	s5 =	simm.s32 $0xFFFFFFFF;
	p2 =	slt.u32 s8, $0xFFFFF086  }
0x1c: {  	p1 =	slt.u32 s9, $0xF7A;
	s5 =	simm.s32 @!p2 $0x0  }
0x1d: {  	s5 =	simm.s32 @p1 $0x1;
	p0 =	seq.s32 s7, s2  }
0x1e: {  	s7 =	smul.u32 @!p0 $0xF7A, s2;
	p2 =	seq.s32 @!p0 s5, $0x0  }
0x1f: {  	s9 =	smul.u32 $0xF7A, s1;
	s8 =	simm.s32 @!p0 $0x1BF5;
	p2 =	por !p2, p0  }
0x20: {  	[sflag:s8] =	ssyncset.s32 @!p0 $0xFFFFF086;
	s6 =	sadd.s32 @!p0 s3, s7;
	s7 =	simm.s32 @!p0 $0x108  }
0x21: {  	s3 =	sadd.s32 s3, s9;
	s6 =	sadd.s32 @!p0 $0x88, s6;
	s7 =	simm.s32 @p2 $0x1082  }
0x22: {  	[simem:s7], [sflag:s8] =	dma.local @!p0 [hbm:s6], $0xF7A  }
0x23: {  	s9 =	sor.u32 $0xD0000000, s2;
	s6 =	simm.s32 $0x108;
	_ =	swait.ge @!p0 [sflag:s8], $0x0  }
0x24: {  	s3 =	sadd.s32 $0x88, s3;
	s6 =	simm.s32 @!p1 $0x1082;
	[sflag:s4] =	ssyncset.s32 $0xFFFFF086  }
0x25: {  	[simem:s6], [sflag:s4] =	dma.local [hbm:s3], $0xF7A  }
0x26: {  	[smem:$0x3F9A] =	sst s1;
	(tag) =	ssettag s2;
	_ =	strace s9  }
0x27: {  	s1 =	sld [smem:$0x3FAA]  }
0x28: {  	s2 =	sld [smem:$0x3FAB]  }
0x29: {  	s4 =	sld [smem:$0x3FAD]  }
0x2a: {  	p0 =	seq.s32 s5, $0x0;
	s5 =	sld [smem:$0x3FAE]  }
0x2b: {  	s6 =	sld [smem:$0x3FAF]  }
0x2c: {  	s7 =	sld [smem:$0x3FB0]  }
0x2d: {  	s3 =	simm.s32 $0x108;
	s8 =	sld [smem:$0x3FB1]  }
0x2e: {  	s3 =	simm.s32 @!p0 $0x1082;
	s9 =	sld [smem:$0x3FB2]  }
0x2f: {  	lr =	sadd.s32 s0, s3;
	s0 =	sld [smem:$0x3FA9]  }
0x30: {  	s3 =	sld [smem:$0x3FAC]  }
0x31: {  	[smem:$0x3FB5] =	sst s10  }
0x32: {  	s10 =	sld [smem:$0x3FB3];
	_ =	sdelay $0x3  }
0x33: {  	p0 =	seq.s32 s10, $0x1;
	s10 =	sld [smem:$0x3FB5];
	_ =	sdelay $0x3  }
0x34: {  	[smem:$0x3FB5] =	sst s10  }
0x35: {  	s10 =	sld [smem:$0x3FB4];
	_ =	sdelay $0x3  }
0x36: {  	p1 =	seq.s32 s10, $0x1;
	s10 =	sld [smem:$0x3FB5];
	_ =	sdelay $0x3  }
0x37: {  	[smem:$0x3FB5] =	sst s10  }
0x38: {  	s10 =	sld [smem:$0x3FB6]  }
0x39: {  	_ = 	snop;
	(pc) =	sbr.ind lr, $3  }
0x3a: {  	_ = 	snop  }
0x3b: {  	_ = 	snop  }
0x3c: {  	p2 =	seq.s32 s10, $0x1;
	s10 =	sld [smem:$0x3FB5]  }
0x3d: {  	_ =	shalt  }
0x3e: {  	_ =	shalt  }
0x3f: {  	_ =	shalt  }
0x40: {  	_ =	shalt  }
0x41: {  	_ =	shalt  }
0x42: {  	_ =	shalt  }
0x43: {  	_ =	shalt  }
0x44: {  	_ =	shalt  }
0x45: {  	_ =	shalt  }
0x46: {  	_ =	shalt  }
0x47: {  	_ =	shalt  }
0x48: {  	_ =	shalt  }
0x49: {  	_ =	shalt  }
0x4a: {  	_ =	shalt  }
0x4b: {  	_ =	shalt  }
0x4c: {  	_ =	shalt  }
0x4d: {  	_ =	shalt  }
0x4e: {  	_ =	shalt  }
0x4f: {  	_ =	shalt  }
0x50: {  	_ =	shalt  }
0x51: {  	_ =	shalt  }
0x52: {  	_ =	shalt  }
0x53: {  	_ =	shalt  }
0x54: {  	_ =	shalt  }
0x55: {  	_ =	shalt  }
0x56: {  	_ =	shalt  }
0x57: {  	_ =	shalt  }
0x58: {  	_ =	shalt  }
0x59: {  	_ =	shalt  }
0x5a: {  	_ =	shalt  }
0x5b: {  	_ =	shalt  }
0x5c: {  	_ =	shalt  }
0x5d: {  	_ =	shalt  }
0x5e: {  	_ =	shalt  }
0x5f: {  	_ =	shalt  }
0x60: {  	_ =	shalt  }
0x61: {  	_ =	shalt  }
0x62: {  	_ =	shalt  }
0x63: {  	_ =	shalt  }
0x64: {  	_ =	shalt  }
0x65: {  	_ =	shalt  }
0x66: {  	_ =	shalt  }
0x67: {  	_ =	shalt  }
0x68: {  	_ =	shalt  }
0x69: {  	_ =	shalt  }
0x6a: {  	_ =	shalt  }
0x6b: {  	_ =	shalt  }
0x6c: {  	_ =	shalt  }
0x6d: {  	_ =	shalt  }
0x6e: {  	_ =	shalt  }
0x6f: {  	_ =	shalt  }
0x70: {  	_ =	shalt  }
0x71: {  	_ =	shalt  }
0x72: {  	_ =	shalt  }
0x73: {  	_ =	shalt  }
0x74: {  	_ =	shalt  }
0x75: {  	_ =	shalt  }
0x76: {  	_ =	shalt  }
0x77: {  	_ =	shalt  }
0x78: {  	_ =	shalt  }
0x79: {  	_ =	shalt  }
0x7a: {  	_ =	shalt  }
0x7b: {  	_ =	shalt  }
0x7c: {  	_ =	shalt  }
0x7d: {  	_ =	shalt  }
0x7e: {  	_ =	shalt  }
0x7f: {  	_ =	shalt  }
0x80: {  	_ =	shalt  }
0x81: {  	_ =	shalt  }
0x82: {  	_ =	shalt  }
0x83: {  	_ =	shalt  }
0x84: {  	_ =	shalt  }
0x85: {  	_ =	shalt  }
0x86: {  	_ =	shalt  }
0x87: {  	_ =	shalt  }
.Lfunc_end0:
.L_simem_size_0:
called_computation_lowered:
.L_overlay_start_0:
0x88: {  	s2 =	sld [smem:$0x3FD9]  }
0x89: {  	s3 =	sld [smem:$0x3FFE];
	_ =	sdelay $0x1  }
0x8a: {  	s1 =	srdreg.scid  }
0x8b: {  	s0 =	sand.u32 $0x1, s1  }
0x8c: {  	s16 =	sshll.u32 s0, $0xA;
	s2 =	sadd.s32 s3, s2  }
0x8d: {  	s2 =	sadd.s32 s2, s16  }
0x8e: {  	[smem:$0x3FC1] =	sst s2  }
0x8f: {  	_ = 	snop  }
0x90: {  	(tm) =	ssettm $0x1  }
0x91: {  	s17 =	sld [smem:$0x3FFB];
	_ =	sdelay $0x3  }
0x92: {  	_ =	strace s17  }
0x93: {  	s2 =	sld [smem:$0x3FFC];
	_ =	sdelay $0x3  }
0x94: {  	_ =	strace s2  }
0x95: {  	s2 =	sld [smem:$0x3FFD];
	_ =	sdelay $0x3  }
0x96: {  	_ =	strace s2  }
0x97: {  	_ =	strace $0x8FFFFFFF  }
0x98: {  	s18 =	sld [smem:$0x3FDB];
	_ =	sdelay $0x1  }
0x99: {  	s19 =	simm.s32 $_scs_section_size  }
0x9a: {  	s4 =	simm.s32 $_size__tile_overlayer_lowered;
	s5 =	simm.s32 $_tile_overlayer_lowered  }
0x9b: {  	s22 =	simm.s32 $0x1BFF;
	s21 =	sshll.u32 s5, $0x1;
	s2 =	sadd.s32 s19, s18  }
0x9c: {  	s6 =	simm.s32 $0x0;
	s20 =	sshll.u32 s4, $0x1;
	s4 =	sadd.s32 s21, s2  }
0x9d: {  	[timem:s6], [sflag:s22] =	dma.local [hbm:s4], s20  }
0x9e: {  	_ =	swait.ge [sflag:s22], s20  }
0x9f: {  	s3 =	ssub.s32 $0x0, s20;
	[sflag:s22] =	ssyncset.done $0x0  }
0xa0: {  	[sflag:s22] =	ssyncadd.s32 s3;
	_ =	sdelay $0x1  }
0xa1: {  	s23 =	simm.s32 $0x1B8B  }
0xa2: {  	_ =	swait.ge [sflag:s23], $0x1  }
0xa3: {  	[sflag:s23] =	ssyncset.done $0x0  }
0xa4: {  	s25 =	simm.s32 $0x1B8E;
	s24 =	sld [smem:$0x3FFE];
	[sflag:s23] =	ssyncadd.s32 $0xFFFFFFFF  }
0xa5: {  	s26 =	simm.s32 $execute0_lowered;
	[smem:$0x3FD2] =	sst s25  }
0xa6: {  	s4 =	sshll.u32 s26, $0x1;
	_ =	strace $0x80000046;
	[dreg:$0x1] =	wrdreg $0xFFFFFFFF  }
0xa7: {  	s28 =	simm.s32 $_size_execute0_lowered;
	s2 =	sadd.s32 s2, s4;
	[dreg:$0x0] =	wrdreg $0x0  }
0xa8: {  	s4 =	sshll.u32 s28, $0x1;
	[dreg:$0x2] =	wrdreg s2  }
0xa9: {  	[dreg:$0x3] =	wrdreg s4  }
0xaa: {  	[dreg:$0x4] =	wrdreg $0xC0  }
0xab: {  	_ =	task [dreg:s6], $0x5FFFF  }
0xac: {  	[dreg:$0x1] =	wrdreg $0xFFFFFFFF  }
0xad: {  	[dreg:$0x0] =	wrdreg $0x60  }
0xae: {  	[dreg:$0x2] =	wrdreg s24  }
0xaf: {  	[dreg:$0x3] =	wrdreg $0x9  }
0xb0: {  	_ =	task.clear_ibuf [dreg:s6], $0x4FFFF;
	_ =	strace $0x90000046  }
0xb1: {  	s29 =	simm.s32 $0x9;
	_ =	strace $0x80000048  }
0xb2: {  	_ =	swait.ge [sflag:s29], $0x1  }
0xb3: {  	[sflag:s29] =	ssyncadd.s32 $0xFFFFFFFF  }
0xb4: {  	_ =	strace $0x90000048  }
0xb5: {  	_ =	sfence  }
0xb6: {  	s30 =	sld [smem:$0x0];
	_ =	sdelay $0x2  }
0xb7: {  	s31 =	sshll.u32 s1, $0xD;
	s1 =	sshrl.u32 s1, $0x2  }
0xb8: {  	s3 =	sand.u32 $0x4000, s31;
	s1 =	sadd.s32 s1, s30  }
0xb9: {  	s0 =	sor.u32 s3, s0;
	s1 =	sshll.u32 s1, $0x11  }
0xba: {  	s0 =	sor.u32 s1, s0  }
0xbb: {  	s0 =	sadd.s32 $0x8F2B, s0  }
0xbc: {  	[sflag:s0] =	ssyncadd.remote.s32 $0x1  }
0xbd: {  	_ =	sfence.sel $0xFFFF  }
0xbe: {  	[dreg:$0x0] =	wrdreg $0xFFFFFFFF;
	(pc) =	sbr.abs _section_cstart, $3  }
0xbf: {  	[dreg:$0x1] =	wrdreg $0xFFFFFFFF  }
0xc0: {  	_ =	task.clear_ibuf [dreg:s6], $0x2FFFF;
	_ =	strace $0x9FFFFFFF  }
0xc1: {  	(tm) =	ssettm $0x7FFFFFFF  }
tec
execute0_lowered:
.L_overlay_start_1:
0x0: {  	(tag) =	ssettag $0x1  }
0x1: {  	s2 =	rddreg [dreg:$0x0];
	s0 =	srdreg.scid  }
0x2: {  	s1 =	stileid.u32;
	s3 =	simm.s32 $0x0;
	s11 =	simm.s32 $0x5  }
0x3: {  	s15 =	simm.s32 $0x80;
	s21 =	simm.s32 $0x1;
	s22 =	simm.s32 $0x3  }
0x4: {  	s23 =	simm.s32 $0x2;
	s0 =	sand.u32 $0x1, s0;
	s1 =	sshll.u32 s1, $0x1  }
0x5: {  	s24 =	simm.s32 $0x4;
	s29 =	simm.s32 $0x0;
	s1 =	sor.u32 s0, s1  }
0x6: {  	[smem:$0x7FF] =	sst s3;
	s4 =	sadd.s32 $0x13A00, s2;
	s5 =	smul.u32 $0x500, s1  }
0x7: {  	s0 =	ssub.s32 $0x2, s0;
	s6 =	smul.u32 $0x1A0, s1;
	s1 =	sshll.u32 s1, $0x2  }
0x8: {  	_ =	strace $0x80000047;
	s31 =	sshrl.u32 s0, $0x1;
	s1 =	sadd.s32 s1, s2  }
0x9: {  	s0 =	ssub.s32 s0, s31;
	s7 =	sadd.s32 s5, s2;
	s8 =	sadd.s32 s6, s2  }
0xa: {  	s9 =	sadd.s32 $0x32600, s1;
	s10 =	smax.u32 s0, $0x1;
	s5 =	sadd.s32 $0x28600, s7  }
0xb: {  	vm0 =	vcmask $0x300;
	s6 =	sadd.s32 $0x1E600, s7;
	s7 =	sadd.s32 $0x1B200, s8;
	s8 =	sadd.s32 $0x17E00, s8  }
.LBB2_1:
0xc: {  	[tilespmem:s3], [sflag:$0x5] =	stream.linear.gather [hbm4b:s5+s3], $0x2800, $0x38;
	[tilespmem:$0xEA20] =	vst v63  }
0xd: {  	_ =	swait.ge [sflag:s11], $0x2800  }
0xe: {  	[sflag:s11] =	ssyncset.done $0x0  }
0xf: {  	s0 =	simm.s32 $0x2800;
	[sflag:s11] =	ssyncadd.s32 $0xFFFFD800  }
0x10: {  	[tilespmem:s0], [sflag:$0x5] =	stream.linear.gather [hbm4b:s6+s3], $0x2800, $0x38;
	[tilespmem:$0xEA20] =	vst v63  }
0x11: {  	_ =	swait.ge [sflag:s11], $0x2800  }
0x12: {  	[sflag:s11] =	ssyncset.done $0x0  }
0x13: {  	s1 =	simm.s32 $0x5000;
	[sflag:s11] =	ssyncadd.s32 $0xFFFFD800  }
0x14: {  	[tilespmem:s1], [sflag:$0x5] =	stream.linear.gather [hbm4b:s7+s3], $0xD00, $0x38;
	[tilespmem:$0xEA20] =	vst v63  }
0x15: {  	_ =	swait.ge [sflag:s11], $0xD00  }
0x16: {  	[sflag:s11] =	ssyncset.done $0x0  }
0x17: {  	s18 =	simm.s32 $0x5D00;
	[sflag:s11] =	ssyncadd.s32 $0xFFFFF300  }
0x18: {  	[tilespmem:s18], [sflag:$0x5] =	stream.linear.gather [hbm4b:s8+s3], $0xD00, $0x38;
	[tilespmem:$0xEA20] =	vst v63  }
0x19: {  	_ =	swait.ge [sflag:s11], $0xD00  }
0x1a: {  	[sflag:s11] =	ssyncset.done $0x0  }
0x1b: {  	s19 =	simm.s32 $0x6A00;
	[sflag:s11] =	ssyncadd.s32 $0xFFFFF300  }
0x1c: {  	[tilespmem:s19], [sflag:$0x1] =	stream.indirect.gather [hbm4b:s2+s15], $0x40, s3, s15, $0xb8;
	[tilespmem:$0xEA20] =	vst v63  }
0x1d: {  	s20 =	simm.s32 $0x8A00  }
0x1e: {  	[tilespmem:s20], [sflag:$0x3] =	stream.indirect.gather [hbm4b:s2+s15], $0x40, s0, s15, $0xb8;
	[tilespmem:$0xEA20] =	vst v63  }
0x1f: {  	s25 =	simm.s32 $0xAA00;
	s26 =	simm.s32 $0x2880  }
0x20: {  	[tilespmem:s25], [sflag:$0x2] =	stream.indirect.gather [hbm4b:s2+s15], $0x40, s15, s15, $0xb8;
	[tilespmem:$0xEA20] =	vst v63  }
0x21: {  	s28 =	simm.s32 $0xCA00;
	s30 =	simm.f32 $0.0e+00;
	s31 =	simm.s32 $0x0  }
0x22: {  	[tilespmem:s28], [sflag:$0x4] =	stream.indirect.gather [hbm4b:s2+s15], $0x40, s26, s15, $0xb8;
	[tilespmem:$0xEA20] =	vst v63  }
.LBB2_2:
0x23: {  	_ =	swait.ge [sflag:s21], $0x2000  }
0x24: {  	[sflag:s21] =	ssyncset.done $0x0  }
0x25: {  	[sflag:s21] =	ssyncadd.s32 $0xFFFFE000  }
0x26: {  	s0 =	sshll.u32 s31, $0x8;
	p0 =	seq.s32 s31, $0x27;
	_ =	swait.ge [sflag:s22], $0x2000  }
0x27: {  	s1 =	sadd.s32 @!p0 $0x100, s0;
	[sflag:s22] =	ssyncset.done $0x0  }
0x28: {  	s12 =	simm.s32 @!p0 $0x80;
	s13 =	simm.s32 @!p0 $0x6A00;
	[sflag:s22] =	ssyncadd.s32 $0xFFFFE000  }
0x29: {  	[tilespmem:s13], [sflag:$0x1] =	stream.indirect.gather @!p0 [hbm4b:s2+s12], $0x40, s1, s12, $0xb8;
	[tilespmem:$0xEA20] =	vst v63  }
0x2a: {  	s28 =	simm.s32 $0x0;
	s1 =	sadd.s32 @!p0 $0x2900, s0;
	s13 =	simm.s32 @!p0 $0x8A00  }
0x2b: {  	[tilespmem:s13], [sflag:$0x3] =	stream.indirect.gather @!p0 [hbm4b:s2+s12], $0x40, s1, s12, $0xb8;
	[tilespmem:$0xEA20] =	vst v63  }
0x2c: {  	v0 =	vld [tilespmem:s28+$0x6AB0]  }
0x2d: {  	v1 =	vld [tilespmem:s28+$0x8AB0]  }
0x2e: {  	v2 =	vld [tilespmem:s28+$0x6A70]  }
0x2f: {  	v3 =	vld [tilespmem:s28+$0x8A70]  }
0x30: {  	v4 =	vld [tilespmem:s28+$0x6AA0]  }
0x31: {  	v6 =	vld [tilespmem:s28+$0x8AA0]  }
0x32: {  	v7 =	vld [tilespmem:s28+$0x6AC0]  }
0x33: {  	v8 =	vld [tilespmem:s28+$0x8AC0]  }
0x34: {  	v9 =	vld [tilespmem:s28+$0x6AD0]  }
0x35: {  	v10 =	vld [tilespmem:s28+$0x6A60]  }
0x36: {  	v11 =	vld [tilespmem:s28+$0x8A60]  }
0x37: {  	v12 =	vld [tilespmem:s28+$0x6A80]  }
0x38: {  	v13 =	vld [tilespmem:s28+$0x8A80]  }
0x39: {  	v14 =	vld [tilespmem:s28+$0x6A90]  }
0x3a: {  	v15 =	vld [tilespmem:s28+$0x8A90]  }
0x3b: {  	v16 =	vld [tilespmem:s28+$0x6A20]  }
0x3c: {  	v17 =	vld [tilespmem:s28+$0x6A40]  }
0x3d: {  	v18 =	vld [tilespmem:s28+$0x8A40]  }
0x3e: {  	v19 =	vld [tilespmem:s28+$0x6A50]  }
0x3f: {  	v20 =	vld [tilespmem:s28+$0x8A50]  }
0x40: {  	v21 =	vld [tilespmem:s28+$0x6A00]  }
0x41: {  	v22 =	vld [tilespmem:s28+$0x8A00]  }
0x42: {  	v23 =	vld [tilespmem:s28+$0x6A10]  }
0x43: {  	v24 =	vld [tilespmem:s28+$0x8A10]  }
0x44: {  	v12 =	vmul.bf16 v13, v12;
	v13 =	vmul.bf16 v15, v14;
	v14 =	vld [tilespmem:s28+$0x8A20]  }
0x45: {  	v15 =	vld [tilespmem:s28+$0x8AD0];
	v4 =	vmul.bf16 v6, v4  }
0x46: {  	v6 =	vld [tilespmem:s28+$0x6A30];
	v0 =	vmul.bf16 v1, v0;
	v1 =	vmul.bf16 v11, v10;
	v12 =	vadd.bf16 v13, v12  }
0x47: {  	v10 =	vld [tilespmem:s28+$0x6AE0];
	v13 =	vmul.bf16 v18, v17;
	v17 =	vmul.bf16 v20, v19  }
0x48: {  	v2 =	vmul.bf16 v3, v2;
	v18 =	vld [tilespmem:s28+$0x8A30];
	v4 =	vadd.bf16 v4, v12  }
0x49: {  	v11 =	vadd.bf16 v17, v13;
	v12 =	vmul.bf16 v22, v21;
	v13 =	vmul.bf16 v24, v23;
	v17 =	vld [tilespmem:s28+$0x8AE0]  }
0x4a: {  	v5 =	vld [tilespmem:s28+$0x6AF0];
	v7 =	vmul.bf16 v8, v7;
	v9 =	vmul.bf16 v15, v9  }
0x4b: {  	s1 =	simm.s32 $0x100;
	v19 =	vld [tilespmem:s28+$0x8AF0];
	v3 =	vmul.bf16 v14, v16;
	v11 =	vadd.bf16 v1, v11;
	v12 =	vadd.bf16 v13, v12  }
0x4c: {  	v20 =	vld [tilespmem:s1+$0x6A80];
	v4 =	vadd.bf16 v0, v4;
	v7 =	vadd.bf16 v9, v7  }
0x4d: {  	v21 =	vld [tilespmem:s1+$0x8A80];
	v6 =	vmul.bf16 v18, v6;
	v11 =	vadd.bf16 v2, v11;
	v12 =	vadd.bf16 v3, v12  }
0x4e: {  	v22 =	vld [tilespmem:s1+$0x6A90];
	v8 =	vunpack.i.u.bf16.f32 v4;
	v4 =	vunpack.i.l.bf16.f32 v4;
	v9 =	vmul.bf16 v17, v10  }
0x4f: {  	v23 =	vld [tilespmem:s1+$0x8A90];
	v10 =	vadd.f32 v4, v8;
	v13 =	vunpack.i.u.bf16.f32 v11;
	v6 =	vadd.bf16 v6, v12  }
0x50: {  	v14 =	vld [tilespmem:s1+$0x6A40];
	v11 =	vunpack.i.l.bf16.f32 v11;
	v12 =	vmul.bf16 v19, v5;
	v7 =	vadd.bf16 v9, v7  }
0x51: {  	v16 =	vld [tilespmem:s1+$0x8A40];
	v11 =	vadd.f32 v11, v13;
	v5 =	vunpack.i.u.bf16.f32 v6;
	v6 =	vunpack.i.l.bf16.f32 v6  }
0x52: {  	v0 =	vld [tilespmem:s1+$0x6AF0];
	(xrf2) =	vadd.scan.msk.f32 $0xffff, v10;
	v6 =	vadd.f32 v6, v5  }
0x53: {  	v1 =	vld [tilespmem:s1+$0x6AB0];
	v10 =	vadd.bf16 v12, v7;
	(xrf2) =	vadd.scan.msk.f32 $0xffff, v11  }
0x54: {  	v18 =	vld [tilespmem:s1+$0x6A50];
	(xrf2) =	vadd.scan.msk.f32 $0xffff, v6  }
0x55: {  	v3 =	vld [tilespmem:s1+$0x8AB0];
	v11 =	vunpack.i.u.bf16.f32 v10;
	v12 =	vunpack.i.l.bf16.f32 v10  }
0x56: {  	v2 =	vld [tilespmem:s1+$0x6A70];
	v12 =	vadd.f32 v12, v11  }
0x57: {  	v4 =	vld [tilespmem:s1+$0x8A70]  }
0x58: {  	v8 =	vld [tilespmem:s1+$0x6AA0];
	(xrf2) =	vadd.scan.msk.f32 $0xffff, v12  }
0x59: {  	v19 =	vld [tilespmem:s1+$0x8A50]  }
0x5a: {  	v9 =	vld [tilespmem:s1+$0x8AA0]  }
0x5b: {  	v5 =	vld [tilespmem:s1+$0x6AC0]  }
0x5c: {  	v7 =	vld [tilespmem:s1+$0x8AC0];
	v13, _, _ =	vpop (xrf2)  }
0x5d: {  	v6 =	vld [tilespmem:s1+$0x6AD0];
	v15, _, _ =	vpop (xrf2)  }
0x5e: {  	v10 =	vld [tilespmem:s1+$0x6A60];
	v17, _, _ =	vpop (xrf2)  }
0x5f: {  	v11 =	vld [tilespmem:s1+$0x8A60];
	(v2sf) =	vpush v17, $0xF  }
0x60: {  	v12 =	vld [tilespmem:s1+$0x6A20];
	(v2sf) =	vpush v13, $0xF  }
0x61: {  	v17 =	vld [tilespmem:s1+$0x6A10];
	(v2sf) =	vpush v15, $0xF  }
0x62: {  	v13 =	vld [tilespmem:s1+$0x6A00];
	v63, _, _ =	vpop (xrf2)  }
0x63: {  	s19 =	simm.s32 $0x800;
	v20 =	vmul.bf16 v21, v20;
	v21 =	vmul.bf16 v23, v22;
	v15 =	vld [tilespmem:s1+$0x8A00];
	(v2sf) =	vpush v63, $0xF  }
.LBB2_3:
0x64: {  	p1 =	sne.s32 s19, $0x7C00;
	v22 =	vld [tilespmem:s1+$0x8A10]  }
0x65: {  	v8 =	vmul.bf16 v9, v8;
	v23 =	vld [tilespmem:s1+$0x8A20];
	v20 =	vadd.bf16 v21, v20  }
0x66: {  	v9 =	vmul.bf16 v16, v14;
	v14 =	vmul.bf16 v19, v18;
	v16 =	vld [tilespmem:s1+$0x8AD0]  }
0x67: {  	v1 =	vmul.bf16 v3, v1;
	v18 =	vld [tilespmem:s1+$0x6A30];
	v8 =	vadd.bf16 v8, v20  }
0x68: {  	v10 =	vmul.bf16 v11, v10;
	v2 =	vmul.bf16 v4, v2;
	v9 =	vadd.bf16 v14, v9;
	v3 =	vld [tilespmem:s1+$0x8A30]  }
0x69: {  	v4 =	vmul.bf16 v15, v13;
	v11 =	vmul.bf16 v22, v17;
	v1 =	vadd.bf16 v1, v8;
	v8 =	vld [tilespmem:s1+$0x6AE0]  }
0x6a: {  	v5 =	vmul.bf16 v7, v5;
	v9 =	vadd.bf16 v10, v9;
	v12 =	vmul.bf16 v23, v12;
	v7 =	vld [tilespmem:s1+$0x8AE0]  }
0x6b: {  	v4 =	vadd.bf16 v11, v4;
	v10 =	vunpack.i.u.bf16.f32 v1;
	v1 =	vunpack.i.l.bf16.f32 v1;
	v11 =	vld [tilespmem:s1+$0x8AF0];
	s1 =	sshra.s32 s19, $0x2  }
0x6c: {  	v2 =	vadd.bf16 v2, v9;
	v6 =	vmul.bf16 v16, v6;
	v13 =	vld [tilespmem:s1+$0x6AF0];
	v9 =	vadd.f32 v1, v10  }
0x6d: {  	v1 =	vld [tilespmem:s1+$0x6AB0];
	v4 =	vadd.bf16 v12, v4;
	v10 =	vmul.bf16 v3, v18  }
0x6e: {  	v12 =	vunpack.i.u.bf16.f32 v2;
	v14 =	vunpack.i.l.bf16.f32 v2;
	v5 =	vadd.bf16 v6, v5;
	v3 =	vld [tilespmem:s1+$0x8AB0];
	(xrf2) =	vadd.scan.msk.f32 $0xffff, v9;
	s12 =	spop (v2sf)  }
0x6f: {  	v9 =	vadd.f32 v14, v12;
	v2 =	vld [tilespmem:s1+$0x6A70];
	v6 =	vadd.bf16 v10, v4;
	v7 =	vmul.bf16 v7, v8;
	s12 =	sadd.f32 $-1.000000000e+00, s12;
	s13 =	spop (v2sf)  }
0x70: {  	v4 =	vld [tilespmem:s1+$0x8A70];
	v10 =	vmul.bf16 v11, v0;
	s14 =	spop (v2sf)  }
0x71: {  	v8 =	vld [tilespmem:s1+$0x6AA0];
	v11 =	vunpack.i.u.bf16.f32 v6;
	v6 =	vunpack.i.l.bf16.f32 v6;
	v7 =	vadd.bf16 v7, v5;
	(xrf2) =	vadd.scan.msk.f32 $0xffff, v9;
	s12 =	smul.f32 s12, s12;
	s14 =	sadd.f32 $-1.000000000e+00, s14;
	v0 =	vmovc v13  }
0x72: {  	s13 =	sadd.f32 $-1.000000000e+00, s13;
	v9 =	vld [tilespmem:s1+$0x8AA0];
	v6 =	vadd.f32 v6, v11;
	s16 =	spop (v2sf)  }
0x73: {  	v5 =	vld [tilespmem:s1+$0x6AC0];
	v10 =	vadd.bf16 v10, v7;
	s12 =	sadd.f32 s12, s30;
	s14 =	smul.f32 s14, s14  }
0x74: {  	s16 =	sadd.f32 $-1.000000000e+00, s16;
	v7 =	vld [tilespmem:s1+$0x8AC0];
	(xrf2) =	vadd.scan.msk.f32 $0xffff, v6  }
0x75: {  	s13 =	smul.f32 s13, s13;
	v6 =	vld [tilespmem:s1+$0x6AD0];
	v11 =	vunpack.i.u.bf16.f32 v10;
	v12 =	vunpack.i.l.bf16.f32 v10;
	s12 =	sadd.f32 s14, s12  }
0x76: {  	v10 =	vld [tilespmem:s1+$0x6A60];
	v12 =	vadd.f32 v12, v11  }
0x77: {  	v11 =	vld [tilespmem:s1+$0x8A60];
	s12 =	sadd.f32 s13, s12;
	s13 =	smul.f32 s16, s16  }
0x78: {  	v20 =	vld [tilespmem:s1+$0x6A80];
	v13, _, _ =	vpop (xrf2);
	(xrf2) =	vadd.scan.msk.f32 $0xffff, v12  }
0x79: {  	v21 =	vld [tilespmem:s1+$0x8A80];
	s30 =	sadd.f32 s13, s12  }
0x7a: {  	v22 =	vld [tilespmem:s1+$0x6A90]  }
0x7b: {  	v23 =	vld [tilespmem:s1+$0x8A90];
	v15, _, _ =	vpop (xrf2)  }
0x7c: {  	v12 =	vld [tilespmem:s1+$0x6A20]  }
0x7d: {  	v14 =	vld [tilespmem:s1+$0x6A40]  }
0x7e: {  	v16 =	vld [tilespmem:s1+$0x8A40];
	v17, _, _ =	vpop (xrf2)  }
.Ltmp0:
0x7f: {  	v18 =	vld [tilespmem:s1+$0x6A50];
	(v2sf) =	vpush v17, $0xF;
	(pc) =	sbr.rel @p1 .LBB2_3-.Ltmp0, $4  }
0x80: {  	v19 =	vld [tilespmem:s1+$0x8A50];
	(v2sf) =	vpush v13, $0xF  }
0x81: {  	v13 =	vld [tilespmem:s1+$0x6A00];
	(v2sf) =	vpush v15, $0xF  }
0x82: {  	v15 =	vld [tilespmem:s1+$0x8A00];
	v24, _, _ =	vpop (xrf2)  }
0x83: {  	s19 =	sadd.s32 $0x400, s19;
	v20 =	vmul.bf16 v21, v20;
	v21 =	vmul.bf16 v23, v22;
	v17 =	vld [tilespmem:s1+$0x6A10];
	(v2sf) =	vpush v24, $0xF  }
0x84: {  	v22 =	vld [tilespmem:s1+$0x8A10]  }
0x85: {  	v23 =	vld [tilespmem:s1+$0x8A20]  }
0x86: {  	v24 =	vld [tilespmem:s1+$0x8AD0];
	v8 =	vmul.bf16 v9, v8  }
0x87: {  	v9 =	vld [tilespmem:s1+$0x6A30];
	v14 =	vmul.bf16 v16, v14;
	v1 =	vmul.bf16 v3, v1;
	v20 =	vadd.bf16 v21, v20  }
0x88: {  	v3 =	vmul.bf16 v11, v10;
	v10 =	vld [tilespmem:s1+$0x6AE0];
	v16 =	vmul.bf16 v19, v18  }
0x89: {  	v18 =	vld [tilespmem:s1+$0x8A30];
	v8 =	vadd.bf16 v8, v20  }
0x8a: {  	v11 =	vadd.bf16 v16, v14;
	v13 =	vmul.bf16 v15, v13;
	v15 =	vld [tilespmem:s1+$0x8AE0];
	v14 =	vmul.bf16 v22, v17  }
0x8b: {  	v2 =	vmul.bf16 v4, v2;
	v1 =	vadd.bf16 v1, v8  }
0x8c: {  	v4 =	vmul.bf16 v23, v12;
	v3 =	vadd.bf16 v3, v11;
	v11 =	vld [tilespmem:s1+$0x8AF0];
	v8 =	vadd.bf16 v14, v13  }
0x8d: {  	v5 =	vmul.bf16 v7, v5;
	v6 =	vmul.bf16 v24, v6;
	v7 =	vunpack.i.u.bf16.f32 v1  }
0x8e: {  	v2 =	vadd.bf16 v2, v3;
	v3 =	vadd.bf16 v4, v8;
	v4 =	vmul.bf16 v18, v9  }
0x8f: {  	v1 =	vunpack.i.l.bf16.f32 v1;
	v5 =	vadd.bf16 v6, v5;
	v6 =	vmul.bf16 v15, v10  }
0x90: {  	v1 =	vadd.f32 v1, v7;
	v7 =	vunpack.i.u.bf16.f32 v2;
	v3 =	vadd.bf16 v4, v3  }
0x91: {  	v2 =	vunpack.i.l.bf16.f32 v2;
	v0 =	vmul.bf16 v11, v0;
	v4 =	vadd.bf16 v6, v5  }
0x92: {  	v2 =	vadd.f32 v2, v7;
	v5 =	vunpack.i.u.bf16.f32 v3;
	v3 =	vunpack.i.l.bf16.f32 v3  }
0x93: {  	(xrf2) =	vadd.scan.msk.f32 $0xffff, v1;
	v0 =	vadd.bf16 v0, v4;
	v1 =	vadd.f32 v3, v5  }
0x94: {  	(xrf2) =	vadd.scan.msk.f32 $0xffff, v2  }
0x95: {  	(xrf2) =	vadd.scan.msk.f32 $0xffff, v1;
	v1 =	vunpack.i.u.bf16.f32 v0;
	v0 =	vunpack.i.l.bf16.f32 v0  }
0x96: {  	v0 =	vadd.f32 v0, v1;
	_ =	sdelay $0x1  }
0x97: {  	(xrf2) =	vadd.scan.msk.f32 $0xffff, v0;
	_ =	sdelay $0x4  }
0x98: {  	v0, _, _ =	vpop (xrf2)  }
0x99: {  	v1, _, _ =	vpop (xrf2)  }
0x9a: {  	v2, _, _ =	vpop (xrf2)  }
0x9b: {  	(v2sf) =	vpush v2, $0xF  }
0x9c: {  	(v2sf) =	vpush v0, $0xF  }
0x9d: {  	(v2sf) =	vpush v1, $0xF;
	v0, _, _ =	vpop (xrf2)  }
0x9e: {  	(v2sf) =	vpush v0, $0xF;
	_ =	sdelay $0x7  }
0x9f: {  	s14 =	spop (v2sf)  }
0xa0: {  	s12 =	spop (v2sf)  }
0xa1: {  	s13 =	spop (v2sf)  }
0xa2: {  	s28 =	spop (v2sf)  }
0xa3: {  	s26 =	spop (v2sf)  }
0xa4: {  	s19 =	spop (v2sf)  }
0xa5: {  	s25 =	spop (v2sf)  }
0xa6: {  	s1 =	spop (v2sf)  }
0xa7: {  	_ =	swait.ge [sflag:s23], $0x2000  }
0xa8: {  	[sflag:s23] =	ssyncset.done $0x0  }
0xa9: {  	[sflag:s23] =	ssyncadd.s32 $0xFFFFE000  }
0xaa: {  	_ =	swait.ge [sflag:s24], $0x2000  }
0xab: {  	s16 =	sadd.s32 @!p0 $0x180, s0;
	[sflag:s24] =	ssyncset.done $0x0  }
0xac: {  	s17 =	simm.s32 @!p0 $0x80;
	s18 =	simm.s32 @!p0 $0xAA00;
	[sflag:s24] =	ssyncadd.s32 $0xFFFFE000  }
0xad: {  	[tilespmem:s18], [sflag:$0x2] =	stream.indirect.gather @!p0 [hbm4b:s2+s17], $0x40, s16, s17, $0xb8;
	[tilespmem:$0xEA20] =	vst v63  }
0xae: {  	s0 =	sadd.s32 @!p0 $0x2980, s0;
	s20 =	simm.s32 $0x0;
	s16 =	simm.s32 @!p0 $0xCA00  }
0xaf: {  	[tilespmem:s16], [sflag:$0x4] =	stream.indirect.gather @!p0 [hbm4b:s2+s17], $0x40, s0, s17, $0xb8;
	[tilespmem:$0xEA20] =	vst v63  }
0xb0: {  	v0 =	vld [tilespmem:s20+$0xAAB0]  }
0xb1: {  	v1 =	vld [tilespmem:s20+$0xCAB0]  }
0xb2: {  	v2 =	vld [tilespmem:s20+$0xAA70]  }
0xb3: {  	v3 =	vld [tilespmem:s20+$0xCA70]  }
0xb4: {  	v4 =	vld [tilespmem:s20+$0xAAA0]  }
0xb5: {  	v6 =	vld [tilespmem:s20+$0xCAA0]  }
0xb6: {  	v7 =	vld [tilespmem:s20+$0xAAC0]  }
0xb7: {  	v8 =	vld [tilespmem:s20+$0xCAC0]  }
0xb8: {  	v9 =	vld [tilespmem:s20+$0xAAD0]  }
0xb9: {  	v10 =	vld [tilespmem:s20+$0xAA60]  }
0xba: {  	v11 =	vld [tilespmem:s20+$0xCA60]  }
0xbb: {  	v12 =	vld [tilespmem:s20+$0xAA80]  }
0xbc: {  	v13 =	vld [tilespmem:s20+$0xCA80]  }
0xbd: {  	v14 =	vld [tilespmem:s20+$0xAA90]  }
0xbe: {  	v15 =	vld [tilespmem:s20+$0xCA90]  }
0xbf: {  	v16 =	vld [tilespmem:s20+$0xAA20]  }
0xc0: {  	v17 =	vld [tilespmem:s20+$0xAA40]  }
0xc1: {  	v18 =	vld [tilespmem:s20+$0xCA40]  }
0xc2: {  	v19 =	vld [tilespmem:s20+$0xAA50]  }
0xc3: {  	v20 =	vld [tilespmem:s20+$0xCA50]  }
0xc4: {  	v21 =	vld [tilespmem:s20+$0xAA00]  }
0xc5: {  	v22 =	vld [tilespmem:s20+$0xCA00]  }
0xc6: {  	v23 =	vld [tilespmem:s20+$0xAA10]  }
0xc7: {  	v62 =	vld [tilespmem:s20+$0xCA10]  }
0xc8: {  	v12 =	vmul.bf16 v13, v12;
	v13 =	vmul.bf16 v15, v14;
	v14 =	vld [tilespmem:s20+$0xCA20]  }
0xc9: {  	v15 =	vld [tilespmem:s20+$0xCAD0];
	v4 =	vmul.bf16 v6, v4  }
0xca: {  	v6 =	vld [tilespmem:s20+$0xAA30];
	v0 =	vmul.bf16 v1, v0;
	v1 =	vmul.bf16 v11, v10;
	v12 =	vadd.bf16 v13, v12  }
0xcb: {  	v10 =	vld [tilespmem:s20+$0xAAE0];
	v13 =	vmul.bf16 v18, v17;
	v17 =	vmul.bf16 v20, v19  }
0xcc: {  	v2 =	vmul.bf16 v3, v2;
	v18 =	vld [tilespmem:s20+$0xCA30];
	v4 =	vadd.bf16 v4, v12  }
0xcd: {  	v11 =	vadd.bf16 v17, v13;
	v12 =	vmul.bf16 v22, v21;
	v13 =	vmul.bf16 v62, v23;
	v17 =	vld [tilespmem:s20+$0xCAE0]  }
0xce: {  	v5 =	vld [tilespmem:s20+$0xAAF0];
	v7 =	vmul.bf16 v8, v7;
	v9 =	vmul.bf16 v15, v9  }
0xcf: {  	s0 =	simm.s32 $0x100;
	v19 =	vld [tilespmem:s20+$0xCAF0];
	v3 =	vmul.bf16 v14, v16;
	v11 =	vadd.bf16 v1, v11;
	v12 =	vadd.bf16 v13, v12  }
0xd0: {  	v20 =	vld [tilespmem:s0+$0xAA80];
	v4 =	vadd.bf16 v0, v4;
	v7 =	vadd.bf16 v9, v7  }
0xd1: {  	v21 =	vld [tilespmem:s0+$0xCA80];
	v6 =	vmul.bf16 v18, v6;
	v11 =	vadd.bf16 v2, v11;
	v12 =	vadd.bf16 v3, v12  }
0xd2: {  	v22 =	vld [tilespmem:s0+$0xAA90];
	v8 =	vunpack.i.u.bf16.f32 v4;
	v4 =	vunpack.i.l.bf16.f32 v4;
	v9 =	vmul.bf16 v17, v10  }
0xd3: {  	v23 =	vld [tilespmem:s0+$0xCA90];
	v10 =	vadd.f32 v4, v8;
	v13 =	vunpack.i.u.bf16.f32 v11;
	v6 =	vadd.bf16 v6, v12  }
0xd4: {  	s14 =	sadd.f32 $-1.000000000e+00, s14;
	v15 =	vld [tilespmem:s0+$0xCA40];
	v11 =	vunpack.i.l.bf16.f32 v11;
	v12 =	vmul.bf16 v19, v5;
	v7 =	vadd.bf16 v9, v7  }
0xd5: {  	v0 =	vld [tilespmem:s0+$0xAAF0];
	v11 =	vadd.f32 v11, v13;
	v5 =	vunpack.i.u.bf16.f32 v6;
	v6 =	vunpack.i.l.bf16.f32 v6  }
0xd6: {  	s14 =	smul.f32 s14, s14;
	s13 =	sadd.f32 $-1.000000000e+00, s13;
	v1 =	vld [tilespmem:s0+$0xAAB0];
	(xrf2) =	vadd.scan.msk.f32 $0xffff, v10;
	v6 =	vadd.f32 v6, v5  }
0xd7: {  	s12 =	sadd.f32 $-1.000000000e+00, s12;
	v3 =	vld [tilespmem:s0+$0xCAB0];
	v10 =	vadd.bf16 v12, v7;
	(xrf2) =	vadd.scan.msk.f32 $0xffff, v11  }
0xd8: {  	s14 =	sadd.f32 s14, s30;
	s13 =	smul.f32 s13, s13;
	v2 =	vld [tilespmem:s0+$0xAA70];
	(xrf2) =	vadd.scan.msk.f32 $0xffff, v6  }
0xd9: {  	v4 =	vld [tilespmem:s0+$0xCA70];
	v11 =	vunpack.i.u.bf16.f32 v10;
	v12 =	vunpack.i.l.bf16.f32 v10  }
0xda: {  	s12 =	smul.f32 s12, s12;
	s13 =	sadd.f32 s13, s14;
	v8 =	vld [tilespmem:s0+$0xAAA0];
	v12 =	vadd.f32 v12, v11  }
0xdb: {  	s16 =	sadd.f32 $-1.000000000e+00, s28;
	v17 =	vld [tilespmem:s0+$0xAA50]  }
0xdc: {  	s12 =	sadd.f32 s12, s13;
	v19 =	vld [tilespmem:s0+$0xCA50];
	(xrf2) =	vadd.scan.msk.f32 $0xffff, v12  }
0xdd: {  	s18 =	sadd.f32 $-1.000000000e+00, s26;
	s17 =	smul.f32 s16, s16;
	v9 =	vld [tilespmem:s0+$0xCAA0]  }
0xde: {  	s25 =	sadd.f32 $-1.000000000e+00, s25;
	v13 =	vld [tilespmem:s0+$0xAA40]  }
0xdf: {  	s12 =	sadd.f32 s17, s12;
	s20 =	smul.f32 s18, s18;
	v5 =	vld [tilespmem:s0+$0xAAC0]  }
0xe0: {  	s26 =	sadd.f32 $-1.000000000e+00, s19;
	v7 =	vld [tilespmem:s0+$0xCAC0];
	v14, _, _ =	vpop (xrf2)  }
0xe1: {  	s28 =	smul.f32 s25, s25;
	s12 =	sadd.f32 s20, s12;
	v6 =	vld [tilespmem:s0+$0xAAD0];
	v16, _, _ =	vpop (xrf2)  }
0xe2: {  	s1 =	sadd.f32 $-1.000000000e+00, s1;
	v10 =	vld [tilespmem:s0+$0xAA60];
	v18, _, _ =	vpop (xrf2)  }
0xe3: {  	s30 =	smul.f32 s26, s26;
	s12 =	sadd.f32 s28, s12;
	v11 =	vld [tilespmem:s0+$0xCA60];
	(v2sf) =	vpush v18, $0xF  }
0xe4: {  	v12 =	vld [tilespmem:s0+$0xAA20];
	(v2sf) =	vpush v14, $0xF  }
0xe5: {  	s1 =	smul.f32 s1, s1;
	s12 =	sadd.f32 s30, s12;
	v18 =	vld [tilespmem:s0+$0xAA10];
	(v2sf) =	vpush v16, $0xF  }
0xe6: {  	v14 =	vld [tilespmem:s0+$0xAA00];
	v63, _, _ =	vpop (xrf2)  }
0xe7: {  	s19 =	simm.s32 $0x800;
	v20 =	vmul.bf16 v21, v20;
	v21 =	vmul.bf16 v23, v22;
	s1 =	sadd.f32 s1, s12;
	v16 =	vld [tilespmem:s0+$0xCA00];
	(v2sf) =	vpush v63, $0xF  }
.LBB2_5:
0xe8: {  	p0 =	sne.s32 s19, $0x7C00;
	v22 =	vld [tilespmem:s0+$0xCA10]  }
0xe9: {  	v8 =	vmul.bf16 v9, v8;
	v23 =	vld [tilespmem:s0+$0xCA20];
	v20 =	vadd.bf16 v21, v20  }
0xea: {  	v9 =	vmul.bf16 v15, v13;
	v13 =	vmul.bf16 v19, v17;
	v15 =	vld [tilespmem:s0+$0xCAD0]  }
0xeb: {  	v1 =	vmul.bf16 v3, v1;
	v17 =	vld [tilespmem:s0+$0xAA30];
	v8 =	vadd.bf16 v8, v20  }
0xec: {  	v10 =	vmul.bf16 v11, v10;
	v2 =	vmul.bf16 v4, v2;
	v9 =	vadd.bf16 v13, v9;
	v3 =	vld [tilespmem:s0+$0xCA30]  }
0xed: {  	v4 =	vmul.bf16 v16, v14;
	v11 =	vmul.bf16 v22, v18;
	v1 =	vadd.bf16 v1, v8;
	v8 =	vld [tilespmem:s0+$0xAAE0]  }
0xee: {  	v5 =	vmul.bf16 v7, v5;
	v9 =	vadd.bf16 v10, v9;
	v12 =	vmul.bf16 v23, v12;
	v7 =	vld [tilespmem:s0+$0xCAE0]  }
0xef: {  	v4 =	vadd.bf16 v11, v4;
	v10 =	vunpack.i.u.bf16.f32 v1;
	v1 =	vunpack.i.l.bf16.f32 v1;
	v11 =	vld [tilespmem:s0+$0xCAF0];
	s0 =	sshra.s32 s19, $0x2  }
0xf0: {  	v2 =	vadd.bf16 v2, v9;
	v6 =	vmul.bf16 v15, v6;
	v13 =	vld [tilespmem:s0+$0xAAF0];
	v9 =	vadd.f32 v1, v10  }
0xf1: {  	v1 =	vld [tilespmem:s0+$0xAAB0];
	v4 =	vadd.bf16 v12, v4;
	v10 =	vmul.bf16 v3, v17  }
0xf2: {  	v12 =	vunpack.i.u.bf16.f32 v2;
	v14 =	vunpack.i.l.bf16.f32 v2;
	v5 =	vadd.bf16 v6, v5;
	v3 =	vld [tilespmem:s0+$0xCAB0];
	(xrf2) =	vadd.scan.msk.f32 $0xffff, v9;
	s12 =	spop (v2sf)  }
0xf3: {  	v9 =	vadd.f32 v14, v12;
	v2 =	vld [tilespmem:s0+$0xAA70];
	v6 =	vadd.bf16 v10, v4;
	v7 =	vmul.bf16 v7, v8;
	s12 =	sadd.f32 $-1.000000000e+00, s12;
	s13 =	spop (v2sf)  }
0xf4: {  	v4 =	vld [tilespmem:s0+$0xCA70];
	v10 =	vmul.bf16 v11, v0;
	s14 =	spop (v2sf)  }
0xf5: {  	v8 =	vld [tilespmem:s0+$0xAAA0];
	v11 =	vunpack.i.u.bf16.f32 v6;
	v6 =	vunpack.i.l.bf16.f32 v6;
	v7 =	vadd.bf16 v7, v5;
	(xrf2) =	vadd.scan.msk.f32 $0xffff, v9;
	s12 =	smul.f32 s12, s12;
	s14 =	sadd.f32 $-1.000000000e+00, s14;
	v0 =	vmovc v13  }
0xf6: {  	s13 =	sadd.f32 $-1.000000000e+00, s13;
	v9 =	vld [tilespmem:s0+$0xCAA0];
	v6 =	vadd.f32 v6, v11;
	s16 =	spop (v2sf)  }
0xf7: {  	v5 =	vld [tilespmem:s0+$0xAAC0];
	v10 =	vadd.bf16 v10, v7;
	s1 =	sadd.f32 s12, s1;
	s12 =	smul.f32 s14, s14  }
0xf8: {  	s14 =	sadd.f32 $-1.000000000e+00, s16;
	v7 =	vld [tilespmem:s0+$0xCAC0];
	(xrf2) =	vadd.scan.msk.f32 $0xffff, v6  }
0xf9: {  	v6 =	vld [tilespmem:s0+$0xAAD0];
	v11 =	vunpack.i.u.bf16.f32 v10;
	v12 =	vunpack.i.l.bf16.f32 v10;
	s1 =	sadd.f32 s12, s1;
	s12 =	smul.f32 s13, s13  }
0xfa: {  	v10 =	vld [tilespmem:s0+$0xAA60];
	v12 =	vadd.f32 v12, v11  }
0xfb: {  	v11 =	vld [tilespmem:s0+$0xCA60];
	s1 =	sadd.f32 s12, s1;
	s12 =	smul.f32 s14, s14  }
0xfc: {  	v20 =	vld [tilespmem:s0+$0xAA80];
	v14, _, _ =	vpop (xrf2);
	(xrf2) =	vadd.scan.msk.f32 $0xffff, v12  }
0xfd: {  	v21 =	vld [tilespmem:s0+$0xCA80];
	s1 =	sadd.f32 s12, s1  }
0xfe: {  	v22 =	vld [tilespmem:s0+$0xAA90]  }
0xff: {  	v23 =	vld [tilespmem:s0+$0xCA90];
	v16, _, _ =	vpop (xrf2)  }
0x100: {  	v12 =	vld [tilespmem:s0+$0xAA20]  }
0x101: {  	v13 =	vld [tilespmem:s0+$0xAA40]  }
0x102: {  	v15 =	vld [tilespmem:s0+$0xCA40];
	v18, _, _ =	vpop (xrf2)  }
.Ltmp1:
0x103: {  	v17 =	vld [tilespmem:s0+$0xAA50];
	(v2sf) =	vpush v18, $0xF;
	(pc) =	sbr.rel @p0 .LBB2_5-.Ltmp1, $4  }
0x104: {  	v19 =	vld [tilespmem:s0+$0xCA50];
	(v2sf) =	vpush v14, $0xF  }
0x105: {  	v14 =	vld [tilespmem:s0+$0xAA00];
	(v2sf) =	vpush v16, $0xF  }
0x106: {  	v16 =	vld [tilespmem:s0+$0xCA00];
	v24, _, _ =	vpop (xrf2)  }
0x107: {  	s19 =	sadd.s32 $0x400, s19;
	v20 =	vmul.bf16 v21, v20;
	v21 =	vmul.bf16 v23, v22;
	v18 =	vld [tilespmem:s0+$0xAA10];
	(v2sf) =	vpush v24, $0xF  }
0x108: {  	v22 =	vld [tilespmem:s0+$0xCA10]  }
0x109: {  	v23 =	vld [tilespmem:s0+$0xCA20]  }
0x10a: {  	v42 =	vld [tilespmem:s0+$0xCAD0]  }
0x10b: {  	v43 =	vld [tilespmem:s0+$0xAA30]  }
0x10c: {  	v8 =	vmul.bf16 v9, v8;
	v44 =	vld [tilespmem:s0+$0xCA30]  }
0x10d: {  	v40 =	vmul.bf16 v15, v13;
	v1 =	vmul.bf16 v3, v1;
	v47 =	vld [tilespmem:s0+$0xAAE0];
	v20 =	vadd.bf16 v21, v20  }
0x10e: {  	v10 =	vmul.bf16 v11, v10;
	v49 =	vld [tilespmem:s0+$0xCAE0];
	v41 =	vmul.bf16 v19, v17  }
0x10f: {  	v8 =	vadd.bf16 v8, v20;
	v45 =	vmul.bf16 v16, v14;
	v46 =	vmul.bf16 v22, v18  }
0x110: {  	v2 =	vmul.bf16 v4, v2;
	v52 =	vld [tilespmem:s0+$0xCAF0];
	v5 =	vmul.bf16 v7, v5;
	v9 =	vadd.bf16 v41, v40  }
0x111: {  	v1 =	vadd.bf16 v1, v8;
	v50 =	vmul.bf16 v23, v12;
	v51 =	vadd.bf16 v46, v45  }
0x112: {  	v48 =	vadd.bf16 v10, v9;
	v54 =	vmul.bf16 v42, v6;
	v3 =	vmul.bf16 v44, v43  }
0x113: {  	v57 =	vmul.bf16 v49, v47;
	v53 =	vunpack.i.u.bf16.f32 v1;
	v55 =	vadd.bf16 v50, v51  }
0x114: {  	v2 =	vadd.bf16 v2, v48;
	v1 =	vunpack.i.l.bf16.f32 v1;
	v4 =	vadd.bf16 v54, v5  }
0x115: {  	v0 =	vmul.bf16 v52, v0;
	v1 =	vadd.f32 v1, v53;
	v3 =	vadd.bf16 v3, v55  }
0x116: {  	v56 =	vunpack.i.u.bf16.f32 v2;
	v2 =	vunpack.i.l.bf16.f32 v2;
	v4 =	vadd.bf16 v57, v4  }
0x117: {  	v2 =	vadd.f32 v2, v56;
	v6 =	vunpack.i.u.bf16.f32 v3;
	v3 =	vunpack.i.l.bf16.f32 v3  }
0x118: {  	(xrf2) =	vadd.scan.msk.f32 $0xffff, v1;
	v58 =	vadd.f32 v3, v6  }
0x119: {  	v0 =	vadd.bf16 v0, v4;
	(xrf2) =	vadd.scan.msk.f32 $0xffff, v2  }
0x11a: {  	(xrf2) =	vadd.scan.msk.f32 $0xffff, v58  }
0x11b: {  	v59 =	vunpack.i.u.bf16.f32 v0;
	v0 =	vunpack.i.l.bf16.f32 v0  }
0x11c: {  	v0 =	vadd.f32 v0, v59;
	_ =	sdelay $0x1  }
0x11d: {  	(xrf2) =	vadd.scan.msk.f32 $0xffff, v0;
	_ =	sdelay $0x3  }
0x11e: {  	v60, _, _ =	vpop (xrf2)  }
0x11f: {  	v61, _, _ =	vpop (xrf2)  }
0x120: {  	v62, _, _ =	vpop (xrf2)  }
0x121: {  	(v2sf) =	vpush v62, $0xF  }
0x122: {  	(v2sf) =	vpush v60, $0xF  }
0x123: {  	(v2sf) =	vpush v61, $0xF  }
0x124: {  	v63, _, _ =	vpop (xrf2)  }
0x125: {  	(v2sf) =	vpush v63, $0xF;
	_ =	sdelay $0x1  }
0x126: {  	s25 =	spop (v2sf)  }
0x127: {  	s12 =	spop (v2sf);
	s0 =	sadd.f32 $-1.000000000e+00, s25  }
0x128: {  	s13 =	spop (v2sf)  }
0x129: {  	s0 =	smul.f32 s0, s0;
	s13 =	sadd.f32 $-1.000000000e+00, s13  }
0x12a: {  	s12 =	sadd.f32 $-1.000000000e+00, s12;
	s28 =	spop (v2sf)  }
0x12b: {  	s0 =	sadd.f32 s0, s1;
	s26 =	smul.f32 s13, s13  }
0x12c: {  	s16 =	sadd.f32 $-1.000000000e+00, s28  }
0x12d: {  	s14 =	smul.f32 s12, s12;
	s0 =	sadd.f32 s26, s0  }
0x12e: {  	s17 =	smul.f32 s16, s16  }
0x12f: {  	s0 =	sadd.f32 s14, s0;
	s18 =	spop (v2sf)  }
0x130: {  	s12 =	sadd.f32 $-1.000000000e+00, s18;
	s19 =	spop (v2sf)  }
0x131: {  	s0 =	sadd.f32 s17, s0;
	s20 =	spop (v2sf)  }
0x132: {  	s12 =	smul.f32 s12, s12;
	s1 =	sadd.f32 $-1.000000000e+00, s20  }
0x133: {  	s13 =	sadd.f32 $-1.000000000e+00, s19;
	s14 =	spop (v2sf)  }
0x134: {  	s31 =	sadd.s32 $0x1, s31;
	s0 =	sadd.f32 s12, s0;
	s1 =	smul.f32 s1, s1  }
0x135: {  	p0 =	sne.s32 s31, $0x28;
	s25 =	sadd.f32 $-1.000000000e+00, s14;
	s26 =	smul.f32 s13, s13  }
.Ltmp2:
0x136: {  	s0 =	sadd.f32 s1, s0;
	(pc) =	sbr.rel @p0 .LBB2_2-.Ltmp2, $4  }
0x137: {  	_ = 	snop  }
0x138: {  	s28 =	smul.f32 s25, s25;
	s0 =	sadd.f32 s26, s0  }
0x139: {  	_ = 	snop  }
0x13a: {  	s30 =	sadd.f32 s28, s0  }
0x13b: {  	s0 =	simm.s32 $0x5000;
	s1 =	simm.s32 $0x6A00  }
0x13c: {  	[tilespmem:s1], [sflag:$0x1] =	stream.indirect.gather [hbm4b:s4+s15], $0x40, s0, s15, $0xb8;
	[tilespmem:$0xEA20] =	vst v63  }
0x13d: {  	s18 =	simm.s32 $0x5D00;
	s19 =	simm.s32 $0x8A00  }
0x13e: {  	[tilespmem:s19], [sflag:$0x3] =	stream.indirect.gather [hbm4b:s2+s15], $0x40, s18, s15, $0xb8;
	[tilespmem:$0xEA20] =	vst v63  }
0x13f: {  	s20 =	simm.s32 $0xAA00;
	s25 =	simm.s32 $0x5080;
	s26 =	simm.s32 $0xCA00  }
0x140: {  	[tilespmem:s20], [sflag:$0x2] =	stream.indirect.gather [hbm4b:s4+s15], $0x40, s25, s15, $0xb8;
	[tilespmem:$0xEA20] =	vst v63  }
0x141: {  	s28 =	simm.s32 $0x5D80;
	s31 =	simm.s32 $0x0;
	s0 =	simm.f32 $0.0e+00  }
0x142: {  	[tilespmem:s26], [sflag:$0x4] =	stream.indirect.gather [hbm4b:s2+s15], $0x40, s28, s15, $0xb8;
	[tilespmem:$0xEA20] =	vst v63  }
.LBB2_8:
0x143: {  	_ =	swait.ge [sflag:s21], $0x2000  }
0x144: {  	[sflag:s21] =	ssyncset.done $0x0  }
0x145: {  	[sflag:s21] =	ssyncadd.s32 $0xFFFFE000  }
0x146: {  	s1 =	sshll.u32 s31, $0x8;
	p0 =	seq.s32 s31, $0xC;
	_ =	swait.ge [sflag:s22], $0x2000  }
0x147: {  	s12 =	sadd.s32 @!p0 $0x5100, s1;
	[sflag:s22] =	ssyncset.done $0x0  }
0x148: {  	s13 =	simm.s32 @!p0 $0x80;
	s14 =	simm.s32 @!p0 $0x6A00;
	[sflag:s22] =	ssyncadd.s32 $0xFFFFE000  }
0x149: {  	[tilespmem:s14], [sflag:$0x1] =	stream.indirect.gather @!p0 [hbm4b:s4+s13], $0x40, s12, s13, $0xb8;
	[tilespmem:$0xEA20] =	vst v63  }
0x14a: {  	s28 =	simm.s32 $0x0;
	s12 =	sadd.s32 @!p0 $0x5E00, s1;
	s14 =	simm.s32 @!p0 $0x8A00  }
0x14b: {  	[tilespmem:s14], [sflag:$0x3] =	stream.indirect.gather @!p0 [hbm4b:s2+s13], $0x40, s12, s13, $0xb8;
	[tilespmem:$0xEA20] =	vst v63  }
0x14c: {  	v0 =	vld [tilespmem:s28+$0x6AB0]  }
0x14d: {  	v1 =	vld [tilespmem:s28+$0x8AB0]  }
0x14e: {  	v2 =	vld [tilespmem:s28+$0x6A70]  }
0x14f: {  	v3 =	vld [tilespmem:s28+$0x8A70]  }
0x150: {  	v4 =	vld [tilespmem:s28+$0x6AA0]  }
0x151: {  	v6 =	vld [tilespmem:s28+$0x8AA0]  }
0x152: {  	v7 =	vld [tilespmem:s28+$0x6AC0]  }
0x153: {  	v8 =	vld [tilespmem:s28+$0x8AC0]  }
0x154: {  	v9 =	vld [tilespmem:s28+$0x6AD0]  }
0x155: {  	v10 =	vld [tilespmem:s28+$0x6A60]  }
0x156: {  	v11 =	vld [tilespmem:s28+$0x8A60]  }
0x157: {  	v12 =	vld [tilespmem:s28+$0x6A80]  }
0x158: {  	v13 =	vld [tilespmem:s28+$0x8A80]  }
0x159: {  	v14 =	vld [tilespmem:s28+$0x6A90]  }
0x15a: {  	v15 =	vld [tilespmem:s28+$0x8A90]  }
0x15b: {  	v16 =	vld [tilespmem:s28+$0x6A20]  }
0x15c: {  	v17 =	vld [tilespmem:s28+$0x6A40]  }
0x15d: {  	v18 =	vld [tilespmem:s28+$0x8A40]  }
0x15e: {  	v19 =	vld [tilespmem:s28+$0x6A50]  }
0x15f: {  	v20 =	vld [tilespmem:s28+$0x8A50]  }
0x160: {  	v21 =	vld [tilespmem:s28+$0x6A00]  }
0x161: {  	v22 =	vld [tilespmem:s28+$0x8A00]  }
0x162: {  	v23 =	vld [tilespmem:s28+$0x6A10]  }
0x163: {  	v24 =	vld [tilespmem:s28+$0x8A10]  }
0x164: {  	v12 =	vmul.bf16 v13, v12;
	v13 =	vmul.bf16 v15, v14;
	v14 =	vld [tilespmem:s28+$0x8A20]  }
0x165: {  	v15 =	vld [tilespmem:s28+$0x8AD0];
	v4 =	vmul.bf16 v6, v4  }
0x166: {  	v6 =	vld [tilespmem:s28+$0x6A30];
	v0 =	vmul.bf16 v1, v0;
	v1 =	vmul.bf16 v11, v10;
	v12 =	vadd.bf16 v13, v12  }
0x167: {  	v10 =	vld [tilespmem:s28+$0x6AE0];
	v13 =	vmul.bf16 v18, v17;
	v17 =	vmul.bf16 v20, v19  }
0x168: {  	v2 =	vmul.bf16 v3, v2;
	v18 =	vld [tilespmem:s28+$0x8A30];
	v4 =	vadd.bf16 v4, v12  }
0x169: {  	v11 =	vadd.bf16 v17, v13;
	v12 =	vmul.bf16 v22, v21;
	v13 =	vmul.bf16 v24, v23;
	v17 =	vld [tilespmem:s28+$0x8AE0]  }
0x16a: {  	v5 =	vld [tilespmem:s28+$0x6AF0];
	v7 =	vmul.bf16 v8, v7;
	v9 =	vmul.bf16 v15, v9  }
0x16b: {  	s19 =	simm.s32 $0x100;
	v19 =	vld [tilespmem:s28+$0x8AF0];
	v3 =	vmul.bf16 v14, v16;
	v11 =	vadd.bf16 v1, v11;
	v12 =	vadd.bf16 v13, v12  }
0x16c: {  	v20 =	vld [tilespmem:s19+$0x6A80];
	v4 =	vadd.bf16 v0, v4;
	v7 =	vadd.bf16 v9, v7  }
0x16d: {  	v21 =	vld [tilespmem:s19+$0x8A80];
	v6 =	vmul.bf16 v18, v6;
	v11 =	vadd.bf16 v2, v11;
	v12 =	vadd.bf16 v3, v12  }
0x16e: {  	v22 =	vld [tilespmem:s19+$0x6A90];
	v8 =	vunpack.i.u.bf16.f32 v4;
	v4 =	vunpack.i.l.bf16.f32 v4;
	v9 =	vmul.bf16 v17, v10  }
0x16f: {  	v23 =	vld [tilespmem:s19+$0x8A90];
	v10 =	vadd.f32 v4, v8;
	v13 =	vunpack.i.u.bf16.f32 v11;
	v6 =	vadd.bf16 v6, v12  }
0x170: {  	v14 =	vld [tilespmem:s19+$0x6A40];
	v11 =	vunpack.i.l.bf16.f32 v11;
	v12 =	vmul.bf16 v19, v5;
	v7 =	vadd.bf16 v9, v7  }
0x171: {  	v16 =	vld [tilespmem:s19+$0x8A40];
	v11 =	vadd.f32 v11, v13;
	v5 =	vunpack.i.u.bf16.f32 v6;
	v6 =	vunpack.i.l.bf16.f32 v6  }
0x172: {  	v0 =	vld [tilespmem:s19+$0x6AF0];
	(xrf2) =	vadd.scan.msk.f32 $0xffff, v10;
	v6 =	vadd.f32 v6, v5  }
0x173: {  	v1 =	vld [tilespmem:s19+$0x6AB0];
	v10 =	vadd.bf16 v12, v7;
	(xrf2) =	vadd.scan.msk.f32 $0xffff, v11  }
0x174: {  	v18 =	vld [tilespmem:s19+$0x6A50];
	(xrf2) =	vadd.scan.msk.f32 $0xffff, v6  }
0x175: {  	v3 =	vld [tilespmem:s19+$0x8AB0];
	v11 =	vunpack.i.u.bf16.f32 v10;
	v12 =	vunpack.i.l.bf16.f32 v10  }
0x176: {  	v2 =	vld [tilespmem:s19+$0x6A70];
	v12 =	vadd.f32 v12, v11  }
0x177: {  	v4 =	vld [tilespmem:s19+$0x8A70]  }
0x178: {  	v8 =	vld [tilespmem:s19+$0x6AA0];
	(xrf2) =	vadd.scan.msk.f32 $0xffff, v12  }
0x179: {  	v19 =	vld [tilespmem:s19+$0x8A50]  }
0x17a: {  	v9 =	vld [tilespmem:s19+$0x8AA0]  }
0x17b: {  	v5 =	vld [tilespmem:s19+$0x6AC0]  }
0x17c: {  	v7 =	vld [tilespmem:s19+$0x8AC0];
	v13, _, _ =	vpop (xrf2)  }
0x17d: {  	v6 =	vld [tilespmem:s19+$0x6AD0];
	v15, _, _ =	vpop (xrf2)  }
0x17e: {  	v10 =	vld [tilespmem:s19+$0x6A60];
	v17, _, _ =	vpop (xrf2)  }
0x17f: {  	v11 =	vld [tilespmem:s19+$0x8A60];
	(v2sf) =	vpush v17, $0xF  }
0x180: {  	v12 =	vld [tilespmem:s19+$0x6A20];
	(v2sf) =	vpush v13, $0xF  }
0x181: {  	v17 =	vld [tilespmem:s19+$0x6A10];
	(v2sf) =	vpush v15, $0xF  }
0x182: {  	v13 =	vld [tilespmem:s19+$0x6A00];
	v63, _, _ =	vpop (xrf2)  }
0x183: {  	s25 =	simm.s32 $0x800;
	v20 =	vmul.bf16 v21, v20;
	v21 =	vmul.bf16 v23, v22;
	v15 =	vld [tilespmem:s19+$0x8A00];
	(v2sf) =	vpush v63, $0xF  }
.LBB2_9:
0x184: {  	p1 =	sne.s32 s25, $0x7C00;
	v22 =	vld [tilespmem:s19+$0x8A10]  }
0x185: {  	v8 =	vmul.bf16 v9, v8;
	v23 =	vld [tilespmem:s19+$0x8A20];
	v20 =	vadd.bf16 v21, v20  }
0x186: {  	v9 =	vmul.bf16 v16, v14;
	v14 =	vmul.bf16 v19, v18;
	v16 =	vld [tilespmem:s19+$0x8AD0]  }
0x187: {  	v1 =	vmul.bf16 v3, v1;
	v18 =	vld [tilespmem:s19+$0x6A30];
	v8 =	vadd.bf16 v8, v20  }
0x188: {  	v10 =	vmul.bf16 v11, v10;
	v2 =	vmul.bf16 v4, v2;
	v9 =	vadd.bf16 v14, v9;
	v3 =	vld [tilespmem:s19+$0x8A30]  }
0x189: {  	v4 =	vmul.bf16 v15, v13;
	v11 =	vmul.bf16 v22, v17;
	v1 =	vadd.bf16 v1, v8;
	v8 =	vld [tilespmem:s19+$0x6AE0]  }
0x18a: {  	v5 =	vmul.bf16 v7, v5;
	v9 =	vadd.bf16 v10, v9;
	v12 =	vmul.bf16 v23, v12;
	v7 =	vld [tilespmem:s19+$0x8AE0]  }
0x18b: {  	v4 =	vadd.bf16 v11, v4;
	v10 =	vunpack.i.u.bf16.f32 v1;
	v1 =	vunpack.i.l.bf16.f32 v1;
	v11 =	vld [tilespmem:s19+$0x8AF0];
	s19 =	sshra.s32 s25, $0x2  }
0x18c: {  	v2 =	vadd.bf16 v2, v9;
	v6 =	vmul.bf16 v16, v6;
	v13 =	vld [tilespmem:s19+$0x6AF0];
	v9 =	vadd.f32 v1, v10  }
0x18d: {  	v1 =	vld [tilespmem:s19+$0x6AB0];
	v4 =	vadd.bf16 v12, v4;
	v10 =	vmul.bf16 v3, v18  }
0x18e: {  	v12 =	vunpack.i.u.bf16.f32 v2;
	v14 =	vunpack.i.l.bf16.f32 v2;
	v5 =	vadd.bf16 v6, v5;
	v3 =	vld [tilespmem:s19+$0x8AB0];
	(xrf2) =	vadd.scan.msk.f32 $0xffff, v9;
	s12 =	spop (v2sf)  }
0x18f: {  	v9 =	vadd.f32 v14, v12;
	v2 =	vld [tilespmem:s19+$0x6A70];
	v6 =	vadd.bf16 v10, v4;
	v7 =	vmul.bf16 v7, v8;
	s12 =	sadd.f32 $-1.000000000e+00, s12;
	s13 =	spop (v2sf)  }
0x190: {  	v4 =	vld [tilespmem:s19+$0x8A70];
	v10 =	vmul.bf16 v11, v0;
	s14 =	spop (v2sf)  }
0x191: {  	v8 =	vld [tilespmem:s19+$0x6AA0];
	v11 =	vunpack.i.u.bf16.f32 v6;
	v6 =	vunpack.i.l.bf16.f32 v6;
	v7 =	vadd.bf16 v7, v5;
	(xrf2) =	vadd.scan.msk.f32 $0xffff, v9;
	s12 =	smul.f32 s12, s12;
	s14 =	sadd.f32 $-1.000000000e+00, s14;
	v0 =	vmovc v13  }
0x192: {  	s13 =	sadd.f32 $-1.000000000e+00, s13;
	v9 =	vld [tilespmem:s19+$0x8AA0];
	v6 =	vadd.f32 v6, v11;
	s16 =	spop (v2sf)  }
0x193: {  	v5 =	vld [tilespmem:s19+$0x6AC0];
	v10 =	vadd.bf16 v10, v7;
	s0 =	sadd.f32 s12, s0;
	s12 =	smul.f32 s14, s14  }
0x194: {  	s14 =	sadd.f32 $-1.000000000e+00, s16;
	v7 =	vld [tilespmem:s19+$0x8AC0];
	(xrf2) =	vadd.scan.msk.f32 $0xffff, v6  }
0x195: {  	v6 =	vld [tilespmem:s19+$0x6AD0];
	v11 =	vunpack.i.u.bf16.f32 v10;
	v12 =	vunpack.i.l.bf16.f32 v10;
	s0 =	sadd.f32 s12, s0;
	s12 =	smul.f32 s13, s13  }
0x196: {  	v10 =	vld [tilespmem:s19+$0x6A60];
	v12 =	vadd.f32 v12, v11  }
0x197: {  	v11 =	vld [tilespmem:s19+$0x8A60];
	s0 =	sadd.f32 s12, s0;
	s12 =	smul.f32 s14, s14  }
0x198: {  	v20 =	vld [tilespmem:s19+$0x6A80];
	v13, _, _ =	vpop (xrf2);
	(xrf2) =	vadd.scan.msk.f32 $0xffff, v12  }
0x199: {  	v21 =	vld [tilespmem:s19+$0x8A80];
	s0 =	sadd.f32 s12, s0  }
0x19a: {  	v22 =	vld [tilespmem:s19+$0x6A90]  }
0x19b: {  	v23 =	vld [tilespmem:s19+$0x8A90];
	v15, _, _ =	vpop (xrf2)  }
0x19c: {  	v12 =	vld [tilespmem:s19+$0x6A20]  }
0x19d: {  	v14 =	vld [tilespmem:s19+$0x6A40]  }
0x19e: {  	v16 =	vld [tilespmem:s19+$0x8A40];
	v17, _, _ =	vpop (xrf2)  }
.Ltmp3:
0x19f: {  	v18 =	vld [tilespmem:s19+$0x6A50];
	(v2sf) =	vpush v17, $0xF;
	(pc) =	sbr.rel @p1 .LBB2_9-.Ltmp3, $4  }
0x1a0: {  	v19 =	vld [tilespmem:s19+$0x8A50];
	(v2sf) =	vpush v13, $0xF  }
0x1a1: {  	v13 =	vld [tilespmem:s19+$0x6A00];
	(v2sf) =	vpush v15, $0xF  }
0x1a2: {  	v15 =	vld [tilespmem:s19+$0x8A00];
	v24, _, _ =	vpop (xrf2)  }
0x1a3: {  	s25 =	sadd.s32 $0x400, s25;
	v20 =	vmul.bf16 v21, v20;
	v21 =	vmul.bf16 v23, v22;
	v17 =	vld [tilespmem:s19+$0x6A10];
	(v2sf) =	vpush v24, $0xF  }
0x1a4: {  	v22 =	vld [tilespmem:s19+$0x8A10]  }
0x1a5: {  	v23 =	vld [tilespmem:s19+$0x8A20]  }
0x1a6: {  	v24 =	vld [tilespmem:s19+$0x8AD0];
	v8 =	vmul.bf16 v9, v8  }
0x1a7: {  	v9 =	vld [tilespmem:s19+$0x6A30];
	v14 =	vmul.bf16 v16, v14;
	v1 =	vmul.bf16 v3, v1;
	v20 =	vadd.bf16 v21, v20  }
0x1a8: {  	v3 =	vmul.bf16 v11, v10;
	v10 =	vld [tilespmem:s19+$0x6AE0];
	v16 =	vmul.bf16 v19, v18  }
0x1a9: {  	v18 =	vld [tilespmem:s19+$0x8A30];
	v8 =	vadd.bf16 v8, v20  }
0x1aa: {  	v11 =	vadd.bf16 v16, v14;
	v13 =	vmul.bf16 v15, v13;
	v15 =	vld [tilespmem:s19+$0x8AE0];
	v14 =	vmul.bf16 v22, v17  }
0x1ab: {  	v2 =	vmul.bf16 v4, v2;
	v1 =	vadd.bf16 v1, v8  }
0x1ac: {  	v4 =	vmul.bf16 v23, v12;
	v3 =	vadd.bf16 v3, v11;
	v11 =	vld [tilespmem:s19+$0x8AF0];
	v8 =	vadd.bf16 v14, v13  }
0x1ad: {  	v5 =	vmul.bf16 v7, v5;
	v6 =	vmul.bf16 v24, v6;
	v7 =	vunpack.i.u.bf16.f32 v1  }
0x1ae: {  	v2 =	vadd.bf16 v2, v3;
	v3 =	vadd.bf16 v4, v8;
	v4 =	vmul.bf16 v18, v9  }
0x1af: {  	v1 =	vunpack.i.l.bf16.f32 v1;
	v5 =	vadd.bf16 v6, v5;
	v6 =	vmul.bf16 v15, v10  }
0x1b0: {  	v1 =	vadd.f32 v1, v7;
	v7 =	vunpack.i.u.bf16.f32 v2;
	v3 =	vadd.bf16 v4, v3  }
0x1b1: {  	v2 =	vunpack.i.l.bf16.f32 v2;
	v0 =	vmul.bf16 v11, v0;
	v4 =	vadd.bf16 v6, v5  }
0x1b2: {  	v2 =	vadd.f32 v2, v7;
	v5 =	vunpack.i.u.bf16.f32 v3;
	v3 =	vunpack.i.l.bf16.f32 v3  }
0x1b3: {  	(xrf2) =	vadd.scan.msk.f32 $0xffff, v1;
	v0 =	vadd.bf16 v0, v4;
	v1 =	vadd.f32 v3, v5  }
0x1b4: {  	(xrf2) =	vadd.scan.msk.f32 $0xffff, v2  }
0x1b5: {  	(xrf2) =	vadd.scan.msk.f32 $0xffff, v1;
	v1 =	vunpack.i.u.bf16.f32 v0;
	v0 =	vunpack.i.l.bf16.f32 v0  }
0x1b6: {  	v0 =	vadd.f32 v0, v1;
	_ =	sdelay $0x1  }
0x1b7: {  	(xrf2) =	vadd.scan.msk.f32 $0xffff, v0;
	_ =	sdelay $0x4  }
0x1b8: {  	v0, _, _ =	vpop (xrf2)  }
0x1b9: {  	v1, _, _ =	vpop (xrf2)  }
0x1ba: {  	v2, _, _ =	vpop (xrf2)  }
0x1bb: {  	(v2sf) =	vpush v2, $0xF  }
0x1bc: {  	(v2sf) =	vpush v0, $0xF  }
0x1bd: {  	(v2sf) =	vpush v1, $0xF;
	v0, _, _ =	vpop (xrf2)  }
0x1be: {  	(v2sf) =	vpush v0, $0xF;
	_ =	sdelay $0x7  }
0x1bf: {  	s16 =	spop (v2sf)  }
0x1c0: {  	s13 =	spop (v2sf)  }
0x1c1: {  	s14 =	spop (v2sf)  }
0x1c2: {  	s12 =	spop (v2sf)  }
0x1c3: {  	s28 =	spop (v2sf)  }
0x1c4: {  	s25 =	spop (v2sf)  }
0x1c5: {  	s26 =	spop (v2sf)  }
0x1c6: {  	s19 =	spop (v2sf)  }
0x1c7: {  	_ =	swait.ge [sflag:s23], $0x2000  }
0x1c8: {  	[sflag:s23] =	ssyncset.done $0x0  }
0x1c9: {  	[sflag:s23] =	ssyncadd.s32 $0xFFFFE000  }
0x1ca: {  	_ =	swait.ge [sflag:s24], $0x2000  }
0x1cb: {  	s17 =	sadd.s32 @!p0 $0x5180, s1;
	[sflag:s24] =	ssyncset.done $0x0  }
0x1cc: {  	s18 =	simm.s32 @!p0 $0x80;
	s20 =	simm.s32 @!p0 $0xAA00;
	[sflag:s24] =	ssyncadd.s32 $0xFFFFE000  }
0x1cd: {  	[tilespmem:s20], [sflag:$0x2] =	stream.indirect.gather @!p0 [hbm4b:s4+s18], $0x40, s17, s18, $0xb8;
	[tilespmem:$0xEA20] =	vst v63  }
0x1ce: {  	s1 =	sadd.s32 @!p0 $0x5E80, s1;
	s17 =	simm.s32 @!p0 $0xCA00;
	s20 =	simm.s32 $0x0  }
0x1cf: {  	[tilespmem:s17], [sflag:$0x4] =	stream.indirect.gather @!p0 [hbm4b:s2+s18], $0x40, s1, s18, $0xb8;
	[tilespmem:$0xEA20] =	vst v63  }
0x1d0: {  	v0 =	vld [tilespmem:s20+$0xAAB0]  }
0x1d1: {  	v1 =	vld [tilespmem:s20+$0xCAB0]  }
0x1d2: {  	v2 =	vld [tilespmem:s20+$0xAA70]  }
0x1d3: {  	v3 =	vld [tilespmem:s20+$0xCA70]  }
0x1d4: {  	v4 =	vld [tilespmem:s20+$0xAAA0]  }
0x1d5: {  	v6 =	vld [tilespmem:s20+$0xCAA0]  }
0x1d6: {  	v7 =	vld [tilespmem:s20+$0xAAC0]  }
0x1d7: {  	v8 =	vld [tilespmem:s20+$0xCAC0]  }
0x1d8: {  	v9 =	vld [tilespmem:s20+$0xAAD0]  }
0x1d9: {  	v10 =	vld [tilespmem:s20+$0xAA60]  }
0x1da: {  	v11 =	vld [tilespmem:s20+$0xCA60]  }
0x1db: {  	v12 =	vld [tilespmem:s20+$0xAA80]  }
0x1dc: {  	v13 =	vld [tilespmem:s20+$0xCA80]  }
0x1dd: {  	v14 =	vld [tilespmem:s20+$0xAA90]  }
0x1de: {  	v15 =	vld [tilespmem:s20+$0xCA90]  }
0x1df: {  	v16 =	vld [tilespmem:s20+$0xAA20]  }
0x1e0: {  	v17 =	vld [tilespmem:s20+$0xAA40]  }
0x1e1: {  	v18 =	vld [tilespmem:s20+$0xCA40]  }
0x1e2: {  	v19 =	vld [tilespmem:s20+$0xAA50]  }
0x1e3: {  	v20 =	vld [tilespmem:s20+$0xCA50]  }
0x1e4: {  	v21 =	vld [tilespmem:s20+$0xAA00]  }
0x1e5: {  	v22 =	vld [tilespmem:s20+$0xCA00]  }
0x1e6: {  	v23 =	vld [tilespmem:s20+$0xAA10]  }
0x1e7: {  	v62 =	vld [tilespmem:s20+$0xCA10]  }
0x1e8: {  	v12 =	vmul.bf16 v13, v12;
	v13 =	vmul.bf16 v15, v14;
	v14 =	vld [tilespmem:s20+$0xCA20]  }
0x1e9: {  	v15 =	vld [tilespmem:s20+$0xCAD0];
	v4 =	vmul.bf16 v6, v4  }
0x1ea: {  	v6 =	vld [tilespmem:s20+$0xAA30];
	v0 =	vmul.bf16 v1, v0;
	v1 =	vmul.bf16 v11, v10;
	v12 =	vadd.bf16 v13, v12  }
0x1eb: {  	v10 =	vld [tilespmem:s20+$0xAAE0];
	v13 =	vmul.bf16 v18, v17;
	v17 =	vmul.bf16 v20, v19  }
0x1ec: {  	v2 =	vmul.bf16 v3, v2;
	v18 =	vld [tilespmem:s20+$0xCA30];
	v4 =	vadd.bf16 v4, v12  }
0x1ed: {  	v11 =	vadd.bf16 v17, v13;
	v12 =	vmul.bf16 v22, v21;
	v13 =	vmul.bf16 v62, v23;
	v17 =	vld [tilespmem:s20+$0xCAE0]  }
0x1ee: {  	v5 =	vld [tilespmem:s20+$0xAAF0];
	v7 =	vmul.bf16 v8, v7;
	v9 =	vmul.bf16 v15, v9  }
0x1ef: {  	s1 =	simm.s32 $0x100;
	v19 =	vld [tilespmem:s20+$0xCAF0];
	v3 =	vmul.bf16 v14, v16;
	v11 =	vadd.bf16 v1, v11;
	v12 =	vadd.bf16 v13, v12  }
0x1f0: {  	v20 =	vld [tilespmem:s1+$0xAA80];
	v4 =	vadd.bf16 v0, v4;
	v7 =	vadd.bf16 v9, v7  }
0x1f1: {  	v21 =	vld [tilespmem:s1+$0xCA80];
	v6 =	vmul.bf16 v18, v6;
	v11 =	vadd.bf16 v2, v11;
	v12 =	vadd.bf16 v3, v12  }
0x1f2: {  	v22 =	vld [tilespmem:s1+$0xAA90];
	v8 =	vunpack.i.u.bf16.f32 v4;
	v4 =	vunpack.i.l.bf16.f32 v4;
	v9 =	vmul.bf16 v17, v10  }
0x1f3: {  	s16 =	sadd.f32 $-1.000000000e+00, s16;
	v23 =	vld [tilespmem:s1+$0xCA90];
	v10 =	vadd.f32 v4, v8;
	v13 =	vunpack.i.u.bf16.f32 v11;
	v6 =	vadd.bf16 v6, v12  }
0x1f4: {  	v15 =	vld [tilespmem:s1+$0xCA40];
	v11 =	vunpack.i.l.bf16.f32 v11;
	v12 =	vmul.bf16 v19, v5;
	v7 =	vadd.bf16 v9, v7  }
0x1f5: {  	s16 =	smul.f32 s16, s16;
	s14 =	sadd.f32 $-1.000000000e+00, s14;
	v0 =	vld [tilespmem:s1+$0xAAF0];
	v11 =	vadd.f32 v11, v13;
	v5 =	vunpack.i.u.bf16.f32 v6;
	v6 =	vunpack.i.l.bf16.f32 v6  }
0x1f6: {  	s13 =	sadd.f32 $-1.000000000e+00, s13;
	v1 =	vld [tilespmem:s1+$0xAAB0];
	(xrf2) =	vadd.scan.msk.f32 $0xffff, v10;
	v6 =	vadd.f32 v6, v5  }
0x1f7: {  	s0 =	sadd.f32 s16, s0;
	s14 =	smul.f32 s14, s14;
	v3 =	vld [tilespmem:s1+$0xCAB0];
	v10 =	vadd.bf16 v12, v7;
	(xrf2) =	vadd.scan.msk.f32 $0xffff, v11  }
0x1f8: {  	v2 =	vld [tilespmem:s1+$0xAA70];
	(xrf2) =	vadd.scan.msk.f32 $0xffff, v6  }
0x1f9: {  	s13 =	smul.f32 s13, s13;
	s0 =	sadd.f32 s14, s0;
	v4 =	vld [tilespmem:s1+$0xCA70];
	v11 =	vunpack.i.u.bf16.f32 v10;
	v12 =	vunpack.i.l.bf16.f32 v10  }
0x1fa: {  	s12 =	sadd.f32 $-1.000000000e+00, s12;
	v8 =	vld [tilespmem:s1+$0xAAA0];
	v12 =	vadd.f32 v12, v11  }
0x1fb: {  	s0 =	sadd.f32 s13, s0;
	v17 =	vld [tilespmem:s1+$0xAA50]  }
0x1fc: {  	s12 =	smul.f32 s12, s12;
	s14 =	sadd.f32 $-1.000000000e+00, s28;
	v19 =	vld [tilespmem:s1+$0xCA50];
	(xrf2) =	vadd.scan.msk.f32 $0xffff, v12  }
0x1fd: {  	v9 =	vld [tilespmem:s1+$0xCAA0]  }
0x1fe: {  	s0 =	sadd.f32 s12, s0;
	s16 =	smul.f32 s14, s14;
	v13 =	vld [tilespmem:s1+$0xAA40]  }
0x1ff: {  	s17 =	sadd.f32 $-1.000000000e+00, s26;
	v5 =	vld [tilespmem:s1+$0xAAC0]  }
0x200: {  	s0 =	sadd.f32 s16, s0;
	v7 =	vld [tilespmem:s1+$0xCAC0];
	v14, _, _ =	vpop (xrf2)  }
0x201: {  	s18 =	sadd.f32 $-1.000000000e+00, s25;
	s20 =	smul.f32 s17, s17;
	v6 =	vld [tilespmem:s1+$0xAAD0];
	v16, _, _ =	vpop (xrf2)  }
0x202: {  	s25 =	sadd.f32 $-1.000000000e+00, s19;
	v10 =	vld [tilespmem:s1+$0xAA60];
	v18, _, _ =	vpop (xrf2)  }
0x203: {  	s26 =	smul.f32 s18, s18;
	s0 =	sadd.f32 s20, s0;
	v11 =	vld [tilespmem:s1+$0xCA60];
	(v2sf) =	vpush v18, $0xF  }
0x204: {  	v12 =	vld [tilespmem:s1+$0xAA20];
	(v2sf) =	vpush v14, $0xF  }
0x205: {  	s28 =	smul.f32 s25, s25;
	s0 =	sadd.f32 s26, s0;
	v18 =	vld [tilespmem:s1+$0xAA10];
	(v2sf) =	vpush v16, $0xF  }
0x206: {  	v14 =	vld [tilespmem:s1+$0xAA00];
	v63, _, _ =	vpop (xrf2)  }
0x207: {  	s19 =	simm.s32 $0x800;
	v20 =	vmul.bf16 v21, v20;
	v21 =	vmul.bf16 v23, v22;
	s0 =	sadd.f32 s28, s0;
	v16 =	vld [tilespmem:s1+$0xCA00];
	(v2sf) =	vpush v63, $0xF  }
.LBB2_11:
0x208: {  	p0 =	sne.s32 s19, $0x7C00;
	v22 =	vld [tilespmem:s1+$0xCA10]  }
0x209: {  	v8 =	vmul.bf16 v9, v8;
	v23 =	vld [tilespmem:s1+$0xCA20];
	v20 =	vadd.bf16 v21, v20  }
0x20a: {  	v9 =	vmul.bf16 v15, v13;
	v13 =	vmul.bf16 v19, v17;
	v15 =	vld [tilespmem:s1+$0xCAD0]  }
0x20b: {  	v1 =	vmul.bf16 v3, v1;
	v17 =	vld [tilespmem:s1+$0xAA30];
	v8 =	vadd.bf16 v8, v20  }
0x20c: {  	v10 =	vmul.bf16 v11, v10;
	v2 =	vmul.bf16 v4, v2;
	v9 =	vadd.bf16 v13, v9;
	v3 =	vld [tilespmem:s1+$0xCA30]  }
0x20d: {  	v4 =	vmul.bf16 v16, v14;
	v11 =	vmul.bf16 v22, v18;
	v1 =	vadd.bf16 v1, v8;
	v8 =	vld [tilespmem:s1+$0xAAE0]  }
0x20e: {  	v5 =	vmul.bf16 v7, v5;
	v9 =	vadd.bf16 v10, v9;
	v12 =	vmul.bf16 v23, v12;
	v7 =	vld [tilespmem:s1+$0xCAE0]  }
0x20f: {  	v4 =	vadd.bf16 v11, v4;
	v10 =	vunpack.i.u.bf16.f32 v1;
	v1 =	vunpack.i.l.bf16.f32 v1;
	v11 =	vld [tilespmem:s1+$0xCAF0];
	s1 =	sshra.s32 s19, $0x2  }
0x210: {  	v2 =	vadd.bf16 v2, v9;
	v6 =	vmul.bf16 v15, v6;
	v13 =	vld [tilespmem:s1+$0xAAF0];
	v9 =	vadd.f32 v1, v10  }
0x211: {  	v1 =	vld [tilespmem:s1+$0xAAB0];
	v4 =	vadd.bf16 v12, v4;
	v10 =	vmul.bf16 v3, v17  }
0x212: {  	v12 =	vunpack.i.u.bf16.f32 v2;
	v14 =	vunpack.i.l.bf16.f32 v2;
	v5 =	vadd.bf16 v6, v5;
	v3 =	vld [tilespmem:s1+$0xCAB0];
	(xrf2) =	vadd.scan.msk.f32 $0xffff, v9;
	s12 =	spop (v2sf)  }
0x213: {  	v9 =	vadd.f32 v14, v12;
	v2 =	vld [tilespmem:s1+$0xAA70];
	v6 =	vadd.bf16 v10, v4;
	v7 =	vmul.bf16 v7, v8;
	s12 =	sadd.f32 $-1.000000000e+00, s12;
	s13 =	spop (v2sf)  }
0x214: {  	v4 =	vld [tilespmem:s1+$0xCA70];
	v10 =	vmul.bf16 v11, v0;
	s14 =	spop (v2sf)  }
0x215: {  	v8 =	vld [tilespmem:s1+$0xAAA0];
	v11 =	vunpack.i.u.bf16.f32 v6;
	v6 =	vunpack.i.l.bf16.f32 v6;
	v7 =	vadd.bf16 v7, v5;
	(xrf2) =	vadd.scan.msk.f32 $0xffff, v9;
	s12 =	smul.f32 s12, s12;
	s14 =	sadd.f32 $-1.000000000e+00, s14;
	v0 =	vmovc v13  }
0x216: {  	s13 =	sadd.f32 $-1.000000000e+00, s13;
	v9 =	vld [tilespmem:s1+$0xCAA0];
	v6 =	vadd.f32 v6, v11;
	s16 =	spop (v2sf)  }
0x217: {  	v5 =	vld [tilespmem:s1+$0xAAC0];
	v10 =	vadd.bf16 v10, v7;
	s0 =	sadd.f32 s12, s0;
	s12 =	smul.f32 s14, s14  }
0x218: {  	s14 =	sadd.f32 $-1.000000000e+00, s16;
	v7 =	vld [tilespmem:s1+$0xCAC0];
	(xrf2) =	vadd.scan.msk.f32 $0xffff, v6  }
0x219: {  	v6 =	vld [tilespmem:s1+$0xAAD0];
	v11 =	vunpack.i.u.bf16.f32 v10;
	v12 =	vunpack.i.l.bf16.f32 v10;
	s0 =	sadd.f32 s12, s0;
	s12 =	smul.f32 s13, s13  }
0x21a: {  	v10 =	vld [tilespmem:s1+$0xAA60];
	v12 =	vadd.f32 v12, v11  }
0x21b: {  	v11 =	vld [tilespmem:s1+$0xCA60];
	s0 =	sadd.f32 s12, s0;
	s12 =	smul.f32 s14, s14  }
0x21c: {  	v20 =	vld [tilespmem:s1+$0xAA80];
	v14, _, _ =	vpop (xrf2);
	(xrf2) =	vadd.scan.msk.f32 $0xffff, v12  }
0x21d: {  	v21 =	vld [tilespmem:s1+$0xCA80];
	s0 =	sadd.f32 s12, s0  }
0x21e: {  	v22 =	vld [tilespmem:s1+$0xAA90]  }
0x21f: {  	v23 =	vld [tilespmem:s1+$0xCA90];
	v16, _, _ =	vpop (xrf2)  }
0x220: {  	v12 =	vld [tilespmem:s1+$0xAA20]  }
0x221: {  	v13 =	vld [tilespmem:s1+$0xAA40]  }
0x222: {  	v15 =	vld [tilespmem:s1+$0xCA40];
	v18, _, _ =	vpop (xrf2)  }
.Ltmp4:
0x223: {  	v17 =	vld [tilespmem:s1+$0xAA50];
	(v2sf) =	vpush v18, $0xF;
	(pc) =	sbr.rel @p0 .LBB2_11-.Ltmp4, $4  }
0x224: {  	v19 =	vld [tilespmem:s1+$0xCA50];
	(v2sf) =	vpush v14, $0xF  }
0x225: {  	v14 =	vld [tilespmem:s1+$0xAA00];
	(v2sf) =	vpush v16, $0xF  }
0x226: {  	v16 =	vld [tilespmem:s1+$0xCA00];
	v24, _, _ =	vpop (xrf2)  }
0x227: {  	s19 =	sadd.s32 $0x400, s19;
	v20 =	vmul.bf16 v21, v20;
	v21 =	vmul.bf16 v23, v22;
	v18 =	vld [tilespmem:s1+$0xAA10];
	(v2sf) =	vpush v24, $0xF  }
0x228: {  	v22 =	vld [tilespmem:s1+$0xCA10]  }
0x229: {  	v23 =	vld [tilespmem:s1+$0xCA20]  }
0x22a: {  	v42 =	vld [tilespmem:s1+$0xCAD0]  }
0x22b: {  	v43 =	vld [tilespmem:s1+$0xAA30]  }
0x22c: {  	v8 =	vmul.bf16 v9, v8;
	v44 =	vld [tilespmem:s1+$0xCA30]  }
0x22d: {  	v40 =	vmul.bf16 v15, v13;
	v1 =	vmul.bf16 v3, v1;
	v47 =	vld [tilespmem:s1+$0xAAE0];
	v20 =	vadd.bf16 v21, v20  }
0x22e: {  	v10 =	vmul.bf16 v11, v10;
	v49 =	vld [tilespmem:s1+$0xCAE0];
	v41 =	vmul.bf16 v19, v17  }
0x22f: {  	v8 =	vadd.bf16 v8, v20;
	v45 =	vmul.bf16 v16, v14;
	v46 =	vmul.bf16 v22, v18  }
0x230: {  	v2 =	vmul.bf16 v4, v2;
	v52 =	vld [tilespmem:s1+$0xCAF0];
	v5 =	vmul.bf16 v7, v5;
	v9 =	vadd.bf16 v41, v40  }
0x231: {  	v1 =	vadd.bf16 v1, v8;
	v50 =	vmul.bf16 v23, v12;
	v51 =	vadd.bf16 v46, v45  }
0x232: {  	v48 =	vadd.bf16 v10, v9;
	v54 =	vmul.bf16 v42, v6;
	v3 =	vmul.bf16 v44, v43  }
0x233: {  	v57 =	vmul.bf16 v49, v47;
	v53 =	vunpack.i.u.bf16.f32 v1;
	v55 =	vadd.bf16 v50, v51  }
0x234: {  	v2 =	vadd.bf16 v2, v48;
	v1 =	vunpack.i.l.bf16.f32 v1;
	v4 =	vadd.bf16 v54, v5  }
0x235: {  	v0 =	vmul.bf16 v52, v0;
	v1 =	vadd.f32 v1, v53;
	v3 =	vadd.bf16 v3, v55  }
0x236: {  	v56 =	vunpack.i.u.bf16.f32 v2;
	v2 =	vunpack.i.l.bf16.f32 v2;
	v4 =	vadd.bf16 v57, v4  }
0x237: {  	v2 =	vadd.f32 v2, v56;
	v6 =	vunpack.i.u.bf16.f32 v3;
	v3 =	vunpack.i.l.bf16.f32 v3  }
0x238: {  	(xrf2) =	vadd.scan.msk.f32 $0xffff, v1;
	v58 =	vadd.f32 v3, v6  }
0x239: {  	v0 =	vadd.bf16 v0, v4;
	(xrf2) =	vadd.scan.msk.f32 $0xffff, v2  }
0x23a: {  	(xrf2) =	vadd.scan.msk.f32 $0xffff, v58  }
0x23b: {  	v59 =	vunpack.i.u.bf16.f32 v0;
	v0 =	vunpack.i.l.bf16.f32 v0  }
0x23c: {  	v0 =	vadd.f32 v0, v59;
	_ =	sdelay $0x1  }
0x23d: {  	(xrf2) =	vadd.scan.msk.f32 $0xffff, v0;
	_ =	sdelay $0x3  }
0x23e: {  	v60, _, _ =	vpop (xrf2)  }
0x23f: {  	v61, _, _ =	vpop (xrf2)  }
0x240: {  	v62, _, _ =	vpop (xrf2)  }
0x241: {  	(v2sf) =	vpush v62, $0xF  }
0x242: {  	(v2sf) =	vpush v60, $0xF  }
0x243: {  	(v2sf) =	vpush v61, $0xF  }
0x244: {  	v63, _, _ =	vpop (xrf2)  }
0x245: {  	(v2sf) =	vpush v63, $0xF;
	_ =	sdelay $0x1  }
0x246: {  	s25 =	spop (v2sf)  }
0x247: {  	s12 =	spop (v2sf);
	s1 =	sadd.f32 $-1.000000000e+00, s25  }
0x248: {  	s13 =	spop (v2sf)  }
0x249: {  	s1 =	smul.f32 s1, s1;
	s13 =	sadd.f32 $-1.000000000e+00, s13  }
0x24a: {  	s12 =	sadd.f32 $-1.000000000e+00, s12;
	s28 =	spop (v2sf)  }
0x24b: {  	s0 =	sadd.f32 s1, s0;
	s26 =	smul.f32 s13, s13  }
0x24c: {  	s16 =	sadd.f32 $-1.000000000e+00, s28  }
0x24d: {  	s14 =	smul.f32 s12, s12;
	s0 =	sadd.f32 s26, s0  }
0x24e: {  	s17 =	smul.f32 s16, s16  }
0x24f: {  	s0 =	sadd.f32 s14, s0;
	s18 =	spop (v2sf)  }
0x250: {  	s12 =	sadd.f32 $-1.000000000e+00, s18;
	s19 =	spop (v2sf)  }
0x251: {  	s0 =	sadd.f32 s17, s0;
	s20 =	spop (v2sf)  }
0x252: {  	s12 =	smul.f32 s12, s12;
	s1 =	sadd.f32 $-1.000000000e+00, s20  }
0x253: {  	s13 =	sadd.f32 $-1.000000000e+00, s19;
	s14 =	spop (v2sf)  }
0x254: {  	s31 =	sadd.s32 $0x1, s31;
	s0 =	sadd.f32 s12, s0;
	s1 =	smul.f32 s1, s1  }
0x255: {  	p0 =	sne.s32 s31, $0xD;
	s25 =	sadd.f32 $-1.000000000e+00, s14;
	s26 =	smul.f32 s13, s13  }
.Ltmp5:
0x256: {  	s0 =	sadd.f32 s1, s0;
	(pc) =	sbr.rel @p0 .LBB2_8-.Ltmp5, $4  }
0x257: {  	_ = 	snop  }
0x258: {  	s28 =	smul.f32 s25, s25;
	s0 =	sadd.f32 s26, s0  }
0x259: {  	_ = 	snop  }
0x25a: {  	s0 =	sadd.f32 s28, s0  }
0x25b: {  	v0 =	vmov s30  }
0x25c: {  	s29 =	sadd.s32 $0x1, s29;
	v0 =	vnsel vm0, $0x0, v0;
	v1 =	vmov s0  }
0x25d: {  	p0 =	sne.s32 s29, s10;
	[tilespmem:$0xEA00] =	vst v0;
	v63 =	vnsel vm0, $0x0, v1  }
.Ltmp6:
0x25e: {  	s31 =	simm.s32 $0xEA00;
	[tilespmem:$0xEA10] =	vst v63;
	(pc) =	sbr.rel @p0 .LBB2_1-.Ltmp6, $4  }
0x25f: {  	[hbm4b:s9+s3] =	stream.linear.scatter [tilespmem:s31], [sflag:$0x5], $0x20, $0x38;
	[tilespmem:$0xEA20] =	vst v63  }
0x260: {  	_ =	swait.ge [sflag:s11], $0x20  }
0x261: {  	[sflag:s11] =	ssyncset.done $0x0  }
0x262: {  	[sflag:s11] =	ssyncadd.s32 $0xFFFFFFE0  }
0x263: {  	_ =	sfence.sel $0x180000  }
0x264: {  	[bflag:$0x0] =	sbarrier.arrive $0xFFFF  }
0x265: {  	_ =	strace $0x90000047  }
0x266: {  	s0 =	stileid.u32;
	[bflag:$0x2] =	sbarrier.arrive $0xFFFF  }
0x267: {  	p0 =	sne.s32 s0, $0x0;
	s0 =	rddreg [dreg:$0x1]  }
0x268: {  	s0 =	sadd.s32 @!p0 $0x100000, s0  }
0x269: {  	[sflag:s0] =	ssyncadd.tile.s32 @!p0 $0x1;
	_ =	shalt  }
.Lfunc_end2:
_tile_overlayer_lowered:
.L_overlay_start_2:
0x26a: {  	(tag) =	ssettag $0x2  }
0x26b: {  	s0 =	rddreg [dreg:$0x0];
	s2 =	stileid.u32  }
0x26c: {  	s1 =	rddreg [dreg:$0x1];
	p0 =	sne.s32 s2, $0x0  }
0x26d: {  	s3 =	rddreg [dreg:$0x2];
	[bflag:$0x3] =	sbarrier.arrive $0xFFFF;
	s2 =	simm.s32 @!p0 $0x1C05  }
0x26e: {  	[timem:s3], [sflag:s2] =	dma.local @!p0 [hbm:s0], s1  }
0x26f: {  	s0 =	simm.s32 @!p0 $0x5  }
0x270: {  	_ =	swait.ge @!p0 [sflag:s0], s1  }
0x271: {  	s1 =	ssub.s32 @!p0 $0x0, s1;
	[sflag:s0] =	ssyncset.done @!p0 $0x0  }
0x272: {  	[sflag:s0] =	ssyncadd.s32 @!p0 s1  }
0x273: {  	[bflag:$0x3] =	sbarrier.arrive $0xFFFF  }
0x274: {  	_ =	shalt  }

</sc_bundles>
